<compile_context>
chip_gen: v7x
topology: tpu7x:2x2x1
jax: 0.10.2.dev20260603
libtpu: 0.0.44.dev20260713+nightly
codegen_flags: <defaults>
</compile_context>

<pallas_src>
import functools

import jax
import jax.numpy as jnp
from jax import lax
from jax.experimental import pallas as pl
from jax.experimental.pallas import tpu as pltpu
from jax.experimental.pallas import tpu_sc as plsc

BATCH = 16384
DIM = 128
H1 = 256
_EPS = 1e-5

_NC = 2
_NS = 16
_NW = _NC * _NS
_BPW = BATCH // _NW
_CH = 128
_NCHUNK = _BPW // _CH
_UNIT = 2 * _CH


def _gather_body(uids, mids, utab, mtab, uout, mout,
                 idxu, idxm, buf0, buf1, gsem, wsem):
    wid = lax.axis_index("s") * _NC + lax.axis_index("c")
    base = wid * _BPW
    pltpu.sync_copy(uids.at[wid], idxu)
    pltpu.sync_copy(mids.at[wid], idxm)
    units = [(utab, idxu, uout, 0), (utab, idxu, uout, 1),
             (mtab, idxm, mout, 0), (mtab, idxm, mout, 1)]
    bufs = (buf0, buf1)
    writes = [None, None]
    for i, (tab, idx, out, u) in enumerate(units):
        b = i % 2
        if writes[b] is not None:
            writes[b].wait()
        g0 = pltpu.async_copy(tab.at[idx.at[2 * u]],
                              bufs[b].at[pl.ds(0, _CH)], gsem)
        g1 = pltpu.async_copy(tab.at[idx.at[2 * u + 1]],
                              bufs[b].at[pl.ds(_CH, _CH)], gsem)
        g0.wait()
        g1.wait()
        writes[b] = pltpu.async_copy(
            bufs[b], out.at[pl.ds(base + u * _UNIT, _UNIT)], wsem)
    writes[0].wait()
    writes[1].wait()


@functools.cache
def _gather_embeddings():
    return functools.partial(
        pl.kernel,
        mesh=plsc.VectorSubcoreMesh(core_axis_name="c", subcore_axis_name="s"),
        out_type=[jax.ShapeDtypeStruct((BATCH, DIM), jnp.float32),
                  jax.ShapeDtypeStruct((BATCH, DIM), jnp.float32)],
        scratch_types=[
            pltpu.VMEM((_NCHUNK, _CH), jnp.int32),
            pltpu.VMEM((_NCHUNK, _CH), jnp.int32),
            pltpu.VMEM((_UNIT, DIM), jnp.float32),
            pltpu.VMEM((_UNIT, DIM), jnp.float32),
            pltpu.SemaphoreType.DMA,
            pltpu.SemaphoreType.DMA,
        ],
    )(_gather_body)


_NV = 4
_NG = 4
_GB = BATCH // (_NV * _NG)
_QTR = BATCH // _NV


def _bn_relu_stats(y, g, be, mu, var):
    scale = g * lax.rsqrt(var + _EPS)
    shift = be - mu * scale
    return jnp.maximum(y * scale + shift, 0.0)


def _mlp_body(u0, u1, u2, u3, m0, m1, m2, m3, w1, b1, g1, be1,
              w2, b2, g2, be2, w3, b3, g3, be3, w4t, b4, out, h1, s1, s2):
    f32 = jnp.float32
    bf = jnp.bfloat16
    step = pl.program_id(0)
    w1v = w1[...].astype(bf)
    w1a = lax.slice(w1v, (0, 0), (DIM, H1))
    w1b = lax.slice(w1v, (DIM, 0), (2 * DIM, H1))
    ps1 = jnp.zeros((1, H1), f32)
    ps2 = jnp.zeros((1, H1), f32)
    for q, (uq, mq) in enumerate(((u0, m0), (u1, m1), (u2, m2), (u3, m3))):
        blk = (jnp.dot(uq[...].astype(bf), w1a, preferred_element_type=f32)
               + jnp.dot(mq[...].astype(bf), w1b, preferred_element_type=f32)
               + b1[...])
        h1[pl.ds(q * _QTR + step * _GB, _GB), :] = blk
        ps1 = ps1 + jnp.sum(blk, axis=0, keepdims=True)
        ps2 = ps2 + jnp.sum(blk * blk, axis=0, keepdims=True)

    @pl.when(step == 0)
    def _init():
        s1[...] = ps1
        s2[...] = ps2

    @pl.when(step > 0)
    def _acc():
        s1[...] += ps1
        s2[...] += ps2

    @pl.when(step == _NG - 1)
    def _tail():
        inv_n = 1.0 / BATCH
        mu1 = s1[...] * inv_n
        var1 = s2[...] * inv_n - mu1 * mu1
        x = _bn_relu_stats(h1[...], g1[...], be1[...], mu1, var1)

        y = jnp.dot(x.astype(bf), w2[...].astype(bf),
                    preferred_element_type=f32) + b2[...]
        mu2 = jnp.mean(y, axis=0, keepdims=True)
        var2 = jnp.mean(y * y, axis=0, keepdims=True) - mu2 * mu2
        y = _bn_relu_stats(y, g2[...], be2[...], mu2, var2)

        z = jnp.dot(y.astype(bf), w3[...].astype(bf),
                    preferred_element_type=f32) + b3[...]
        mu3 = jnp.mean(z, axis=0, keepdims=True)
        var3 = jnp.mean(z * z, axis=0, keepdims=True) - mu3 * mu3
        z = _bn_relu_stats(z, g3[...], be3[...], mu3, var3)

        zt = jnp.transpose(z)
        res = jnp.dot(w4t[...], zt, preferred_element_type=f32) + b4[...]
        out[...] = jnp.reshape(res, (BATCH,))


def _full(shape):
    return pl.BlockSpec(shape, lambda g: tuple(0 for _ in shape))


def kernel(user_ids, movie_ids, user_table, movie_table,
           W1, b1, g1, be1, W2, b2, g2, be2, W3, b3, g3, be3,
           W4, b4, global_bias):
    uids = user_ids.astype(jnp.int32).reshape(_NW, _NCHUNK, _CH)
    mids = movie_ids.astype(jnp.int32).reshape(_NW, _NCHUNK, _CH)
    u_emb, m_emb = _gather_embeddings()(uids, mids, user_table, movie_table)

    r = lambda v: v.reshape(1, -1)
    bias4 = (b4 + global_bias).reshape(1, 1)
    qspecs = [pl.BlockSpec((_GB, DIM), lambda g, k=k: (g + k * _NG, 0))
              for k in range(_NV)]
    out = pl.pallas_call(
        _mlp_body,
        grid=(_NG,),
        in_specs=[*qspecs, *qspecs,
                  _full((2 * DIM, H1)), _full((1, H1)),
                  _full((1, H1)), _full((1, H1)),
                  _full((H1, 128)), _full((1, 128)), _full((1, 128)),
                  _full((1, 128)),
                  _full((128, 64)), _full((1, 64)), _full((1, 64)),
                  _full((1, 64)),
                  _full((1, 64)), _full((1, 1))],
        out_specs=_full((BATCH,)),
        out_shape=jax.ShapeDtypeStruct((BATCH,), jnp.float32),
        scratch_shapes=[pltpu.VMEM((BATCH, H1), jnp.float32),
                        pltpu.VMEM((1, H1), jnp.float32),
                        pltpu.VMEM((1, H1), jnp.float32)],
    )(u_emb, u_emb, u_emb, u_emb, m_emb, m_emb, m_emb, m_emb,
      W1, r(b1), r(g1), r(be1),
      W2, r(b2), r(g2), r(be2), W3, r(b3), r(g3), r(be3),
      W4.reshape(1, -1), bias4)
    return out

# --- scband reference (transcript-rebuilt; emitter-appended) ---
"""Pipeline reference for scband-ncf-72370198938134 (READ-ONLY COPY).

The authoritative reference and input builder live on the scoring server;
editing this copy changes nothing except your own understanding.
"""

import jax, jax.numpy as jnp
import numpy as np

NUM_USERS = 1000000
NUM_MOVIES = 100000
LATENT_DIM = 128
HIDDEN = [256, 128, 64]
BATCH = 16384


def setup_inputs(seed: int = 0) -> dict:
    key = jax.random.key(seed)
    ks = jax.random.split(key, 20)
    inp = {}
    inp['user_ids'] = jax.random.randint(ks[0], (BATCH,), 0, NUM_USERS, dtype=jnp.int64 if jax.config.jax_enable_x64 else jnp.int32)
    inp['movie_ids'] = jax.random.randint(ks[1], (BATCH,), 0, NUM_MOVIES, dtype=jnp.int64 if jax.config.jax_enable_x64 else jnp.int32)
    inp['user_table'] = jax.random.normal(ks[2], (NUM_USERS, LATENT_DIM), dtype=jnp.float32) * 0.02
    inp['movie_table'] = jax.random.normal(ks[3], (NUM_MOVIES, LATENT_DIM), dtype=jnp.float32) * 0.02
    dims = [2 * LATENT_DIM] + HIDDEN
    for i in range(len(HIDDEN)):
        fan_in = dims[i]
        inp[f'W{i+1}'] = jax.random.normal(ks[4 + 4 * i], (dims[i], dims[i + 1]), dtype=jnp.float32) * (1.0 / np.sqrt(fan_in))
        inp[f'b{i+1}'] = jnp.zeros((dims[i + 1],), dtype=jnp.float32)
        inp[f'g{i+1}'] = jnp.ones((dims[i + 1],), dtype=jnp.float32)
        inp[f'be{i+1}'] = jnp.zeros((dims[i + 1],), dtype=jnp.float32)
    inp['W4'] = jax.random.normal(ks[18], (HIDDEN[-1], 1), dtype=jnp.float32) * (1.0 / np.sqrt(HIDDEN[-1]))
    inp['b4'] = jnp.zeros((1,), dtype=jnp.float32)
    inp['global_bias'] = jnp.zeros((1,), dtype=jnp.float32)
    return inp


def _batchnorm(x, gamma, beta, eps=1e-5):
    mu = jnp.mean(x, axis=0)
    var = jnp.var(x, axis=0)
    return gamma * (x - mu) / jnp.sqrt(var + eps) + beta


def reference(user_ids, movie_ids, user_table, movie_table,
              W1, b1, g1, be1, W2, b2, g2, be2, W3, b3, g3, be3,
              W4, b4, global_bias):
    user_emb = jnp.take(user_table, user_ids, axis=0)
    movie_emb = jnp.take(movie_table, movie_ids, axis=0)
    x = jnp.concatenate([user_emb, movie_emb], axis=1)
    for W, b, g, be in ((W1, b1, g1, be1), (W2, b2, g2, be2), (W3, b3, g3, be3)):
        x = x @ W + b
        x = _batchnorm(x, g, be)
        x = jax.nn.relu(x)
        # dropout is identity in eval mode
    out = x @ W4 + b4
    return jnp.squeeze(out, axis=-1) + global_bias

if __name__ == "__main__":
    import jax
    _d = setup_inputs()
    print(jax.jit(kernel)(*tuple(_d.values())))

</pallas_src>

<mosaic_0001>
#map = affine_map<(d0, d1) -> (0, 0, 0)>
#map1 = affine_map<(d0, d1) -> (0, 0)>
module attributes {stable_mosaic.version = 14 : i64} {
  func.func @_gather_body(%arg0: i32, %arg1: i32, %arg2: memref<32x4x128xi32, #tpu.memory_space<hbm>>, %arg3: memref<32x4x128xi32, #tpu.memory_space<hbm>>, %arg4: memref<1000000x128xf32, #tpu.memory_space<hbm>>, %arg5: memref<100000x128xf32, #tpu.memory_space<hbm>>, %arg6: memref<16384x128xf32, #tpu.memory_space<hbm>>, %arg7: memref<16384x128xf32, #tpu.memory_space<hbm>>, %arg8: memref<4x128xi32, #tpu.memory_space<vmem>>, %arg9: memref<4x128xi32, #tpu.memory_space<vmem>>, %arg10: memref<256x128xf32, #tpu.memory_space<vmem>>, %arg11: memref<256x128xf32, #tpu.memory_space<vmem>>, %arg12: memref<!tpu.dma_semaphore, #tpu.memory_space<semaphore_mem>>, %arg13: memref<!tpu.dma_semaphore, #tpu.memory_space<semaphore_mem>>) attributes {dimension_semantics = [#tpu.dimension_semantics<core_parallel>, #tpu.dimension_semantics<subcore_parallel>], iteration_bounds = array<i64: 2, 16>, scalar_prefetch = 0 : i64, scratch_operands = 6 : i64, tpu.core_type = #tpu.core_type<sc_vector_subcore>, window_params = [{transform_indices = #map}, {transform_indices = #map}, {transform_indices = #map1}, {transform_indices = #map1}, {transform_indices = #map1}, {transform_indices = #map1}]} {
    %mul3A = arith.constant 2 : i32
    %mul3A_0 = arith.muli %arg1, %mul3A : i32
    %add3A = arith.addi %mul3A_0, %arg0 : i32
    %mul3A_1 = arith.constant 512 : i32
    %mul3A_2 = arith.muli %add3A, %mul3A_1 : i32
    "tpu.region"() ({
      %run_scoped3A = tpu.sem_alloc : memref<!tpu.dma_semaphore, #tpu.memory_space<semaphore_mem>>
      %dma_start3A_201 = arith.constant 0 : i32
      %dma_start3A_202 = arith.constant 0 : i32
      %dma_start3A_203 = tpu.memref_slice %arg2[%add3A, %dma_start3A_201, %dma_start3A_202] : memref<32x4x128xi32, #tpu.memory_space<hbm>> -> memref<1x4x128xi32, #tpu.memory_space<hbm>>
      %dma_start3A_204 = tpu.memref_squeeze %dma_start3A_203 : memref<1x4x128xi32, #tpu.memory_space<hbm>> -> memref<4x128xi32, #tpu.memory_space<hbm>>
      %dma_start3A_205 = arith.constant 0 : i32
      %dma_start3A_206 = arith.constant 0 : i32
      %dma_start3A_207 = tpu.memref_slice %arg2[%add3A, %dma_start3A_205, %dma_start3A_206] : memref<32x4x128xi32, #tpu.memory_space<hbm>> -> memref<1x4x128xi32, #tpu.memory_space<hbm>>
      %dma_start3A_208 = tpu.memref_squeeze %dma_start3A_207 : memref<1x4x128xi32, #tpu.memory_space<hbm>> -> memref<4x128xi32, #tpu.memory_space<hbm>>
      tpu.enqueue_dma source(%dma_start3A_208 : memref<4x128xi32, #tpu.memory_space<hbm>>) target(%arg8 : memref<4x128xi32, #tpu.memory_space<vmem>>) target_semaphore(%run_scoped3A : memref<!tpu.dma_semaphore, #tpu.memory_space<semaphore_mem>>)
      %dma_wait3A_209 = arith.constant 0 : i32
      %dma_wait3A_210 = arith.constant 0 : i32
      %dma_wait3A_211 = tpu.memref_slice %arg2[%add3A, %dma_wait3A_209, %dma_wait3A_210] : memref<32x4x128xi32, #tpu.memory_space<hbm>> -> memref<1x4x128xi32, #tpu.memory_space<hbm>>
      %dma_wait3A_212 = tpu.memref_squeeze %dma_wait3A_211 : memref<1x4x128xi32, #tpu.memory_space<hbm>> -> memref<4x128xi32, #tpu.memory_space<hbm>>
      %dma_wait3A_213 = arith.constant 0 : i32
      %dma_wait3A_214 = arith.constant 0 : i32
      %dma_wait3A_215 = tpu.memref_slice %arg2[%add3A, %dma_wait3A_213, %dma_wait3A_214] : memref<32x4x128xi32, #tpu.memory_space<hbm>> -> memref<1x4x128xi32, #tpu.memory_space<hbm>>
      %dma_wait3A_216 = tpu.memref_squeeze %dma_wait3A_215 : memref<1x4x128xi32, #tpu.memory_space<hbm>> -> memref<4x128xi32, #tpu.memory_space<hbm>>
      tpu.wait_dma2 semaphore(%run_scoped3A : memref<!tpu.dma_semaphore, #tpu.memory_space<semaphore_mem>>) src(%dma_wait3A_216 : memref<4x128xi32, #tpu.memory_space<hbm>>) dst(%arg8 : memref<4x128xi32, #tpu.memory_space<vmem>>)
      tpu.yield
    }) : () -> ()
    "tpu.region"() ({
      %run_scoped3A = tpu.sem_alloc : memref<!tpu.dma_semaphore, #tpu.memory_space<semaphore_mem>>
      %dma_start3A_201 = arith.constant 0 : i32
      %dma_start3A_202 = arith.constant 0 : i32
      %dma_start3A_203 = tpu.memref_slice %arg3[%add3A, %dma_start3A_201, %dma_start3A_202] : memref<32x4x128xi32, #tpu.memory_space<hbm>> -> memref<1x4x128xi32, #tpu.memory_space<hbm>>
      %dma_start3A_204 = tpu.memref_squeeze %dma_start3A_203 : memref<1x4x128xi32, #tpu.memory_space<hbm>> -> memref<4x128xi32, #tpu.memory_space<hbm>>
      %dma_start3A_205 = arith.constant 0 : i32
      %dma_start3A_206 = arith.constant 0 : i32
      %dma_start3A_207 = tpu.memref_slice %arg3[%add3A, %dma_start3A_205, %dma_start3A_206] : memref<32x4x128xi32, #tpu.memory_space<hbm>> -> memref<1x4x128xi32, #tpu.memory_space<hbm>>
      %dma_start3A_208 = tpu.memref_squeeze %dma_start3A_207 : memref<1x4x128xi32, #tpu.memory_space<hbm>> -> memref<4x128xi32, #tpu.memory_space<hbm>>
      tpu.enqueue_dma source(%dma_start3A_208 : memref<4x128xi32, #tpu.memory_space<hbm>>) target(%arg9 : memref<4x128xi32, #tpu.memory_space<vmem>>) target_semaphore(%run_scoped3A : memref<!tpu.dma_semaphore, #tpu.memory_space<semaphore_mem>>)
      %dma_wait3A_209 = arith.constant 0 : i32
      %dma_wait3A_210 = arith.constant 0 : i32
      %dma_wait3A_211 = tpu.memref_slice %arg3[%add3A, %dma_wait3A_209, %dma_wait3A_210] : memref<32x4x128xi32, #tpu.memory_space<hbm>> -> memref<1x4x128xi32, #tpu.memory_space<hbm>>
      %dma_wait3A_212 = tpu.memref_squeeze %dma_wait3A_211 : memref<1x4x128xi32, #tpu.memory_space<hbm>> -> memref<4x128xi32, #tpu.memory_space<hbm>>
      %dma_wait3A_213 = arith.constant 0 : i32
      %dma_wait3A_214 = arith.constant 0 : i32
      %dma_wait3A_215 = tpu.memref_slice %arg3[%add3A, %dma_wait3A_213, %dma_wait3A_214] : memref<32x4x128xi32, #tpu.memory_space<hbm>> -> memref<1x4x128xi32, #tpu.memory_space<hbm>>
      %dma_wait3A_216 = tpu.memref_squeeze %dma_wait3A_215 : memref<1x4x128xi32, #tpu.memory_space<hbm>> -> memref<4x128xi32, #tpu.memory_space<hbm>>
      tpu.wait_dma2 semaphore(%run_scoped3A : memref<!tpu.dma_semaphore, #tpu.memory_space<semaphore_mem>>) src(%dma_wait3A_216 : memref<4x128xi32, #tpu.memory_space<hbm>>) dst(%arg9 : memref<4x128xi32, #tpu.memory_space<vmem>>)
      tpu.yield
    }) : () -> ()
    %dma_start3A = arith.constant 0 : i32
    %dma_start3A_3 = arith.constant 0 : i32
    %dma_start3A_4 = arith.constant 0 : i32
    %dma_start3A_5 = tpu.memref_slice %arg10[%dma_start3A_3, %dma_start3A_4] : memref<256x128xf32, #tpu.memory_space<vmem>> -> memref<128x128xf32, #tpu.memory_space<vmem>>
    %dma_start3A_6 = arith.constant 0 : i32
    %dma_start3A_7 = tpu.memref_slice %arg8[%dma_start3A, %dma_start3A_6] : memref<4x128xi32, #tpu.memory_space<vmem>> -> memref<1x128xi32, #tpu.memory_space<vmem>>
    %dma_start3A_8 = tpu.memref_squeeze %dma_start3A_7 : memref<1x128xi32, #tpu.memory_space<vmem>> -> memref<128xi32, #tpu.memory_space<vmem>>
    %dma_start3A_9 = arith.constant 0 : i32
    %dma_start3A_10 = arith.constant 0 : i32
    %dma_start3A_11 = tpu.memref_slice %arg4[%dma_start3A_9, %dma_start3A_10] : memref<1000000x128xf32, #tpu.memory_space<hbm>> -> memref<1000000x128xf32, #tpu.memory_space<hbm>>
    tpu.enqueue_indirect_dma source(%dma_start3A_11 : memref<1000000x128xf32, #tpu.memory_space<hbm>>) target(%dma_start3A_5 : memref<128x128xf32, #tpu.memory_space<vmem>>) offsets(%dma_start3A_8 : memref<128xi32, #tpu.memory_space<vmem>>) semaphore(%arg12 : memref<!tpu.dma_semaphore, #tpu.memory_space<semaphore_mem>>)
    %dma_start3A_12 = arith.constant 1 : i32
    %dma_start3A_13 = arith.constant 128 : i32
    %dma_start3A_14 = arith.constant 0 : i32
    %dma_start3A_15 = tpu.memref_slice %arg10[%dma_start3A_13, %dma_start3A_14] : memref<256x128xf32, #tpu.memory_space<vmem>> -> memref<128x128xf32, #tpu.memory_space<vmem>>
    %dma_start3A_16 = arith.constant 0 : i32
    %dma_start3A_17 = tpu.memref_slice %arg8[%dma_start3A_12, %dma_start3A_16] : memref<4x128xi32, #tpu.memory_space<vmem>> -> memref<1x128xi32, #tpu.memory_space<vmem>>
    %dma_start3A_18 = tpu.memref_squeeze %dma_start3A_17 : memref<1x128xi32, #tpu.memory_space<vmem>> -> memref<128xi32, #tpu.memory_space<vmem>>
    %dma_start3A_19 = arith.constant 0 : i32
    %dma_start3A_20 = arith.constant 0 : i32
    %dma_start3A_21 = tpu.memref_slice %arg4[%dma_start3A_19, %dma_start3A_20] : memref<1000000x128xf32, #tpu.memory_space<hbm>> -> memref<1000000x128xf32, #tpu.memory_space<hbm>>
    tpu.enqueue_indirect_dma source(%dma_start3A_21 : memref<1000000x128xf32, #tpu.memory_space<hbm>>) target(%dma_start3A_15 : memref<128x128xf32, #tpu.memory_space<vmem>>) offsets(%dma_start3A_18 : memref<128xi32, #tpu.memory_space<vmem>>) semaphore(%arg12 : memref<!tpu.dma_semaphore, #tpu.memory_space<semaphore_mem>>)
    %dma_wait3A = arith.constant 0 : i32
    %dma_wait3A_22 = arith.constant 0 : i32
    %dma_wait3A_23 = arith.constant 0 : i32
    %dma_wait3A_24 = tpu.memref_slice %arg10[%dma_wait3A_22, %dma_wait3A_23] : memref<256x128xf32, #tpu.memory_space<vmem>> -> memref<128x128xf32, #tpu.memory_space<vmem>>
    %dma_wait3A_25 = arith.constant 0 : i32
    %dma_wait3A_26 = tpu.memref_slice %arg8[%dma_wait3A, %dma_wait3A_25] : memref<4x128xi32, #tpu.memory_space<vmem>> -> memref<1x128xi32, #tpu.memory_space<vmem>>
    %dma_wait3A_27 = tpu.memref_squeeze %dma_wait3A_26 : memref<1x128xi32, #tpu.memory_space<vmem>> -> memref<128xi32, #tpu.memory_space<vmem>>
    %dma_wait3A_28 = arith.constant 0 : i32
    %dma_wait3A_29 = arith.constant 0 : i32
    %dma_wait3A_30 = tpu.memref_slice %arg4[%dma_wait3A_28, %dma_wait3A_29] : memref<1000000x128xf32, #tpu.memory_space<hbm>> -> memref<1000000x128xf32, #tpu.memory_space<hbm>>
    tpu.wait_indirect_dma semaphore(%arg12 : memref<!tpu.dma_semaphore, #tpu.memory_space<semaphore_mem>>) src(%dma_wait3A_30 : memref<1000000x128xf32, #tpu.memory_space<hbm>>) dst(%dma_wait3A_24 : memref<128x128xf32, #tpu.memory_space<vmem>>)
    %dma_wait3A_31 = arith.constant 1 : i32
    %dma_wait3A_32 = arith.constant 128 : i32
    %dma_wait3A_33 = arith.constant 0 : i32
    %dma_wait3A_34 = tpu.memref_slice %arg10[%dma_wait3A_32, %dma_wait3A_33] : memref<256x128xf32, #tpu.memory_space<vmem>> -> memref<128x128xf32, #tpu.memory_space<vmem>>
    %dma_wait3A_35 = arith.constant 0 : i32
    %dma_wait3A_36 = tpu.memref_slice %arg8[%dma_wait3A_31, %dma_wait3A_35] : memref<4x128xi32, #tpu.memory_space<vmem>> -> memref<1x128xi32, #tpu.memory_space<vmem>>
    %dma_wait3A_37 = tpu.memref_squeeze %dma_wait3A_36 : memref<1x128xi32, #tpu.memory_space<vmem>> -> memref<128xi32, #tpu.memory_space<vmem>>
    %dma_wait3A_38 = arith.constant 0 : i32
    %dma_wait3A_39 = arith.constant 0 : i32
    %dma_wait3A_40 = tpu.memref_slice %arg4[%dma_wait3A_38, %dma_wait3A_39] : memref<1000000x128xf32, #tpu.memory_space<hbm>> -> memref<1000000x128xf32, #tpu.memory_space<hbm>>
    tpu.wait_indirect_dma semaphore(%arg12 : memref<!tpu.dma_semaphore, #tpu.memory_space<semaphore_mem>>) src(%dma_wait3A_40 : memref<1000000x128xf32, #tpu.memory_space<hbm>>) dst(%dma_wait3A_34 : memref<128x128xf32, #tpu.memory_space<vmem>>)
    %add3A_41 = arith.constant 0 : i32
    %add3A_42 = arith.addi %mul3A_2, %add3A_41 : i32
    %dma_start3A_43 = arith.constant 0 : i32
    %dma_start3A_44 = tpu.memref_slice %arg6[%add3A_42, %dma_start3A_43] : memref<16384x128xf32, #tpu.memory_space<hbm>> -> memref<256x128xf32, #tpu.memory_space<hbm>>
    %dma_start3A_45 = arith.constant 0 : i32
    %dma_start3A_46 = tpu.memref_slice %arg6[%add3A_42, %dma_start3A_45] : memref<16384x128xf32, #tpu.memory_space<hbm>> -> memref<256x128xf32, #tpu.memory_space<hbm>>
    tpu.enqueue_dma source(%arg10 : memref<256x128xf32, #tpu.memory_space<vmem>>) target(%dma_start3A_46 : memref<256x128xf32, #tpu.memory_space<hbm>>) target_semaphore(%arg13 : memref<!tpu.dma_semaphore, #tpu.memory_space<semaphore_mem>>)
    %dma_start3A_47 = arith.constant 2 : i32
    %dma_start3A_48 = arith.constant 0 : i32
    %dma_start3A_49 = arith.constant 0 : i32
    %dma_start3A_50 = tpu.memref_slice %arg11[%dma_start3A_48, %dma_start3A_49] : memref<256x128xf32, #tpu.memory_space<vmem>> -> memref<128x128xf32, #tpu.memory_space<vmem>>
    %dma_start3A_51 = arith.constant 0 : i32
    %dma_start3A_52 = tpu.memref_slice %arg8[%dma_start3A_47, %dma_start3A_51] : memref<4x128xi32, #tpu.memory_space<vmem>> -> memref<1x128xi32, #tpu.memory_space<vmem>>
    %dma_start3A_53 = tpu.memref_squeeze %dma_start3A_52 : memref<1x128xi32, #tpu.memory_space<vmem>> -> memref<128xi32, #tpu.memory_space<vmem>>
    %dma_start3A_54 = arith.constant 0 : i32
    %dma_start3A_55 = arith.constant 0 : i32
    %dma_start3A_56 = tpu.memref_slice %arg4[%dma_start3A_54, %dma_start3A_55] : memref<1000000x128xf32, #tpu.memory_space<hbm>> -> memref<1000000x128xf32, #tpu.memory_space<hbm>>
    tpu.enqueue_indirect_dma source(%dma_start3A_56 : memref<1000000x128xf32, #tpu.memory_space<hbm>>) target(%dma_start3A_50 : memref<128x128xf32, #tpu.memory_space<vmem>>) offsets(%dma_start3A_53 : memref<128xi32, #tpu.memory_space<vmem>>) semaphore(%arg12 : memref<!tpu.dma_semaphore, #tpu.memory_space<semaphore_mem>>)
    %dma_start3A_57 = arith.constant 3 : i32
    %dma_start3A_58 = arith.constant 128 : i32
    %dma_start3A_59 = arith.constant 0 : i32
    %dma_start3A_60 = tpu.memref_slice %arg11[%dma_start3A_58, %dma_start3A_59] : memref<256x128xf32, #tpu.memory_space<vmem>> -> memref<128x128xf32, #tpu.memory_space<vmem>>
    %dma_start3A_61 = arith.constant 0 : i32
    %dma_start3A_62 = tpu.memref_slice %arg8[%dma_start3A_57, %dma_start3A_61] : memref<4x128xi32, #tpu.memory_space<vmem>> -> memref<1x128xi32, #tpu.memory_space<vmem>>
    %dma_start3A_63 = tpu.memref_squeeze %dma_start3A_62 : memref<1x128xi32, #tpu.memory_space<vmem>> -> memref<128xi32, #tpu.memory_space<vmem>>
    %dma_start3A_64 = arith.constant 0 : i32
    %dma_start3A_65 = arith.constant 0 : i32
    %dma_start3A_66 = tpu.memref_slice %arg4[%dma_start3A_64, %dma_start3A_65] : memref<1000000x128xf32, #tpu.memory_space<hbm>> -> memref<1000000x128xf32, #tpu.memory_space<hbm>>
    tpu.enqueue_indirect_dma source(%dma_start3A_66 : memref<1000000x128xf32, #tpu.memory_space<hbm>>) target(%dma_start3A_60 : memref<128x128xf32, #tpu.memory_space<vmem>>) offsets(%dma_start3A_63 : memref<128xi32, #tpu.memory_space<vmem>>) semaphore(%arg12 : memref<!tpu.dma_semaphore, #tpu.memory_space<semaphore_mem>>)
    %dma_wait3A_67 = arith.constant 2 : i32
    %dma_wait3A_68 = arith.constant 0 : i32
    %dma_wait3A_69 = arith.constant 0 : i32
    %dma_wait3A_70 = tpu.memref_slice %arg11[%dma_wait3A_68, %dma_wait3A_69] : memref<256x128xf32, #tpu.memory_space<vmem>> -> memref<128x128xf32, #tpu.memory_space<vmem>>
    %dma_wait3A_71 = arith.constant 0 : i32
    %dma_wait3A_72 = tpu.memref_slice %arg8[%dma_wait3A_67, %dma_wait3A_71] : memref<4x128xi32, #tpu.memory_space<vmem>> -> memref<1x128xi32, #tpu.memory_space<vmem>>
    %dma_wait3A_73 = tpu.memref_squeeze %dma_wait3A_72 : memref<1x128xi32, #tpu.memory_space<vmem>> -> memref<128xi32, #tpu.memory_space<vmem>>
    %dma_wait3A_74 = arith.constant 0 : i32
    %dma_wait3A_75 = arith.constant 0 : i32
    %dma_wait3A_76 = tpu.memref_slice %arg4[%dma_wait3A_74, %dma_wait3A_75] : memref<1000000x128xf32, #tpu.memory_space<hbm>> -> memref<1000000x128xf32, #tpu.memory_space<hbm>>
    tpu.wait_indirect_dma semaphore(%arg12 : memref<!tpu.dma_semaphore, #tpu.memory_space<semaphore_mem>>) src(%dma_wait3A_76 : memref<1000000x128xf32, #tpu.memory_space<hbm>>) dst(%dma_wait3A_70 : memref<128x128xf32, #tpu.memory_space<vmem>>)
    %dma_wait3A_77 = arith.constant 3 : i32
    %dma_wait3A_78 = arith.constant 128 : i32
    %dma_wait3A_79 = arith.constant 0 : i32
    %dma_wait3A_80 = tpu.memref_slice %arg11[%dma_wait3A_78, %dma_wait3A_79] : memref<256x128xf32, #tpu.memory_space<vmem>> -> memref<128x128xf32, #tpu.memory_space<vmem>>
    %dma_wait3A_81 = arith.constant 0 : i32
    %dma_wait3A_82 = tpu.memref_slice %arg8[%dma_wait3A_77, %dma_wait3A_81] : memref<4x128xi32, #tpu.memory_space<vmem>> -> memref<1x128xi32, #tpu.memory_space<vmem>>
    %dma_wait3A_83 = tpu.memref_squeeze %dma_wait3A_82 : memref<1x128xi32, #tpu.memory_space<vmem>> -> memref<128xi32, #tpu.memory_space<vmem>>
    %dma_wait3A_84 = arith.constant 0 : i32
    %dma_wait3A_85 = arith.constant 0 : i32
    %dma_wait3A_86 = tpu.memref_slice %arg4[%dma_wait3A_84, %dma_wait3A_85] : memref<1000000x128xf32, #tpu.memory_space<hbm>> -> memref<1000000x128xf32, #tpu.memory_space<hbm>>
    tpu.wait_indirect_dma semaphore(%arg12 : memref<!tpu.dma_semaphore, #tpu.memory_space<semaphore_mem>>) src(%dma_wait3A_86 : memref<1000000x128xf32, #tpu.memory_space<hbm>>) dst(%dma_wait3A_80 : memref<128x128xf32, #tpu.memory_space<vmem>>)
    %add3A_87 = arith.constant 256 : i32
    %add3A_88 = arith.addi %mul3A_2, %add3A_87 : i32
    %dma_start3A_89 = arith.constant 0 : i32
    %dma_start3A_90 = tpu.memref_slice %arg6[%add3A_88, %dma_start3A_89] : memref<16384x128xf32, #tpu.memory_space<hbm>> -> memref<256x128xf32, #tpu.memory_space<hbm>>
    %dma_start3A_91 = arith.constant 0 : i32
    %dma_start3A_92 = tpu.memref_slice %arg6[%add3A_88, %dma_start3A_91] : memref<16384x128xf32, #tpu.memory_space<hbm>> -> memref<256x128xf32, #tpu.memory_space<hbm>>
    tpu.enqueue_dma source(%arg11 : memref<256x128xf32, #tpu.memory_space<vmem>>) target(%dma_start3A_92 : memref<256x128xf32, #tpu.memory_space<hbm>>) target_semaphore(%arg13 : memref<!tpu.dma_semaphore, #tpu.memory_space<semaphore_mem>>)
    %dma_wait3A_93 = arith.constant 0 : i32
    %dma_wait3A_94 = tpu.memref_slice %arg6[%add3A_42, %dma_wait3A_93] : memref<16384x128xf32, #tpu.memory_space<hbm>> -> memref<256x128xf32, #tpu.memory_space<hbm>>
    %dma_wait3A_95 = arith.constant 0 : i32
    %dma_wait3A_96 = tpu.memref_slice %arg6[%add3A_42, %dma_wait3A_95] : memref<16384x128xf32, #tpu.memory_space<hbm>> -> memref<256x128xf32, #tpu.memory_space<hbm>>
    tpu.wait_dma2 semaphore(%arg13 : memref<!tpu.dma_semaphore, #tpu.memory_space<semaphore_mem>>) src(%arg10 : memref<256x128xf32, #tpu.memory_space<vmem>>) dst(%dma_wait3A_96 : memref<256x128xf32, #tpu.memory_space<hbm>>)
    %dma_start3A_97 = arith.constant 0 : i32
    %dma_start3A_98 = arith.constant 0 : i32
    %dma_start3A_99 = arith.constant 0 : i32
    %dma_start3A_100 = tpu.memref_slice %arg10[%dma_start3A_98, %dma_start3A_99] : memref<256x128xf32, #tpu.memory_space<vmem>> -> memref<128x128xf32, #tpu.memory_space<vmem>>
    %dma_start3A_101 = arith.constant 0 : i32
    %dma_start3A_102 = tpu.memref_slice %arg9[%dma_start3A_97, %dma_start3A_101] : memref<4x128xi32, #tpu.memory_space<vmem>> -> memref<1x128xi32, #tpu.memory_space<vmem>>
    %dma_start3A_103 = tpu.memref_squeeze %dma_start3A_102 : memref<1x128xi32, #tpu.memory_space<vmem>> -> memref<128xi32, #tpu.memory_space<vmem>>
    %dma_start3A_104 = arith.constant 0 : i32
    %dma_start3A_105 = arith.constant 0 : i32
    %dma_start3A_106 = tpu.memref_slice %arg5[%dma_start3A_104, %dma_start3A_105] : memref<100000x128xf32, #tpu.memory_space<hbm>> -> memref<100000x128xf32, #tpu.memory_space<hbm>>
    tpu.enqueue_indirect_dma source(%dma_start3A_106 : memref<100000x128xf32, #tpu.memory_space<hbm>>) target(%dma_start3A_100 : memref<128x128xf32, #tpu.memory_space<vmem>>) offsets(%dma_start3A_103 : memref<128xi32, #tpu.memory_space<vmem>>) semaphore(%arg12 : memref<!tpu.dma_semaphore, #tpu.memory_space<semaphore_mem>>)
    %dma_start3A_107 = arith.constant 1 : i32
    %dma_start3A_108 = arith.constant 128 : i32
    %dma_start3A_109 = arith.constant 0 : i32
    %dma_start3A_110 = tpu.memref_slice %arg10[%dma_start3A_108, %dma_start3A_109] : memref<256x128xf32, #tpu.memory_space<vmem>> -> memref<128x128xf32, #tpu.memory_space<vmem>>
    %dma_start3A_111 = arith.constant 0 : i32
    %dma_start3A_112 = tpu.memref_slice %arg9[%dma_start3A_107, %dma_start3A_111] : memref<4x128xi32, #tpu.memory_space<vmem>> -> memref<1x128xi32, #tpu.memory_space<vmem>>
    %dma_start3A_113 = tpu.memref_squeeze %dma_start3A_112 : memref<1x128xi32, #tpu.memory_space<vmem>> -> memref<128xi32, #tpu.memory_space<vmem>>
    %dma_start3A_114 = arith.constant 0 : i32
    %dma_start3A_115 = arith.constant 0 : i32
    %dma_start3A_116 = tpu.memref_slice %arg5[%dma_start3A_114, %dma_start3A_115] : memref<100000x128xf32, #tpu.memory_space<hbm>> -> memref<100000x128xf32, #tpu.memory_space<hbm>>
    tpu.enqueue_indirect_dma source(%dma_start3A_116 : memref<100000x128xf32, #tpu.memory_space<hbm>>) target(%dma_start3A_110 : memref<128x128xf32, #tpu.memory_space<vmem>>) offsets(%dma_start3A_113 : memref<128xi32, #tpu.memory_space<vmem>>) semaphore(%arg12 : memref<!tpu.dma_semaphore, #tpu.memory_space<semaphore_mem>>)
    %dma_wait3A_117 = arith.constant 0 : i32
    %dma_wait3A_118 = arith.constant 0 : i32
    %dma_wait3A_119 = arith.constant 0 : i32
    %dma_wait3A_120 = tpu.memref_slice %arg10[%dma_wait3A_118, %dma_wait3A_119] : memref<256x128xf32, #tpu.memory_space<vmem>> -> memref<128x128xf32, #tpu.memory_space<vmem>>
    %dma_wait3A_121 = arith.constant 0 : i32
    %dma_wait3A_122 = tpu.memref_slice %arg9[%dma_wait3A_117, %dma_wait3A_121] : memref<4x128xi32, #tpu.memory_space<vmem>> -> memref<1x128xi32, #tpu.memory_space<vmem>>
    %dma_wait3A_123 = tpu.memref_squeeze %dma_wait3A_122 : memref<1x128xi32, #tpu.memory_space<vmem>> -> memref<128xi32, #tpu.memory_space<vmem>>
    %dma_wait3A_124 = arith.constant 0 : i32
    %dma_wait3A_125 = arith.constant 0 : i32
    %dma_wait3A_126 = tpu.memref_slice %arg5[%dma_wait3A_124, %dma_wait3A_125] : memref<100000x128xf32, #tpu.memory_space<hbm>> -> memref<100000x128xf32, #tpu.memory_space<hbm>>
    tpu.wait_indirect_dma semaphore(%arg12 : memref<!tpu.dma_semaphore, #tpu.memory_space<semaphore_mem>>) src(%dma_wait3A_126 : memref<100000x128xf32, #tpu.memory_space<hbm>>) dst(%dma_wait3A_120 : memref<128x128xf32, #tpu.memory_space<vmem>>)
    %dma_wait3A_127 = arith.constant 1 : i32
    %dma_wait3A_128 = arith.constant 128 : i32
    %dma_wait3A_129 = arith.constant 0 : i32
    %dma_wait3A_130 = tpu.memref_slice %arg10[%dma_wait3A_128, %dma_wait3A_129] : memref<256x128xf32, #tpu.memory_space<vmem>> -> memref<128x128xf32, #tpu.memory_space<vmem>>
    %dma_wait3A_131 = arith.constant 0 : i32
    %dma_wait3A_132 = tpu.memref_slice %arg9[%dma_wait3A_127, %dma_wait3A_131] : memref<4x128xi32, #tpu.memory_space<vmem>> -> memref<1x128xi32, #tpu.memory_space<vmem>>
    %dma_wait3A_133 = tpu.memref_squeeze %dma_wait3A_132 : memref<1x128xi32, #tpu.memory_space<vmem>> -> memref<128xi32, #tpu.memory_space<vmem>>
    %dma_wait3A_134 = arith.constant 0 : i32
    %dma_wait3A_135 = arith.constant 0 : i32
    %dma_wait3A_136 = tpu.memref_slice %arg5[%dma_wait3A_134, %dma_wait3A_135] : memref<100000x128xf32, #tpu.memory_space<hbm>> -> memref<100000x128xf32, #tpu.memory_space<hbm>>
    tpu.wait_indirect_dma semaphore(%arg12 : memref<!tpu.dma_semaphore, #tpu.memory_space<semaphore_mem>>) src(%dma_wait3A_136 : memref<100000x128xf32, #tpu.memory_space<hbm>>) dst(%dma_wait3A_130 : memref<128x128xf32, #tpu.memory_space<vmem>>)
    %add3A_137 = arith.constant 0 : i32
    %add3A_138 = arith.addi %mul3A_2, %add3A_137 : i32
    %dma_start3A_139 = arith.constant 0 : i32
    %dma_start3A_140 = tpu.memref_slice %arg7[%add3A_138, %dma_start3A_139] : memref<16384x128xf32, #tpu.memory_space<hbm>> -> memref<256x128xf32, #tpu.memory_space<hbm>>
    %dma_start3A_141 = arith.constant 0 : i32
    %dma_start3A_142 = tpu.memref_slice %arg7[%add3A_138, %dma_start3A_141] : memref<16384x128xf32, #tpu.memory_space<hbm>> -> memref<256x128xf32, #tpu.memory_space<hbm>>
    tpu.enqueue_dma source(%arg10 : memref<256x128xf32, #tpu.memory_space<vmem>>) target(%dma_start3A_142 : memref<256x128xf32, #tpu.memory_space<hbm>>) target_semaphore(%arg13 : memref<!tpu.dma_semaphore, #tpu.memory_space<semaphore_mem>>)
    %dma_wait3A_143 = arith.constant 0 : i32
    %dma_wait3A_144 = tpu.memref_slice %arg6[%add3A_88, %dma_wait3A_143] : memref<16384x128xf32, #tpu.memory_space<hbm>> -> memref<256x128xf32, #tpu.memory_space<hbm>>
    %dma_wait3A_145 = arith.constant 0 : i32
    %dma_wait3A_146 = tpu.memref_slice %arg6[%add3A_88, %dma_wait3A_145] : memref<16384x128xf32, #tpu.memory_space<hbm>> -> memref<256x128xf32, #tpu.memory_space<hbm>>
    tpu.wait_dma2 semaphore(%arg13 : memref<!tpu.dma_semaphore, #tpu.memory_space<semaphore_mem>>) src(%arg11 : memref<256x128xf32, #tpu.memory_space<vmem>>) dst(%dma_wait3A_146 : memref<256x128xf32, #tpu.memory_space<hbm>>)
    %dma_start3A_147 = arith.constant 2 : i32
    %dma_start3A_148 = arith.constant 0 : i32
    %dma_start3A_149 = arith.constant 0 : i32
    %dma_start3A_150 = tpu.memref_slice %arg11[%dma_start3A_148, %dma_start3A_149] : memref<256x128xf32, #tpu.memory_space<vmem>> -> memref<128x128xf32, #tpu.memory_space<vmem>>
    %dma_start3A_151 = arith.constant 0 : i32
    %dma_start3A_152 = tpu.memref_slice %arg9[%dma_start3A_147, %dma_start3A_151] : memref<4x128xi32, #tpu.memory_space<vmem>> -> memref<1x128xi32, #tpu.memory_space<vmem>>
    %dma_start3A_153 = tpu.memref_squeeze %dma_start3A_152 : memref<1x128xi32, #tpu.memory_space<vmem>> -> memref<128xi32, #tpu.memory_space<vmem>>
    %dma_start3A_154 = arith.constant 0 : i32
    %dma_start3A_155 = arith.constant 0 : i32
    %dma_start3A_156 = tpu.memref_slice %arg5[%dma_start3A_154, %dma_start3A_155] : memref<100000x128xf32, #tpu.memory_space<hbm>> -> memref<100000x128xf32, #tpu.memory_space<hbm>>
    tpu.enqueue_indirect_dma source(%dma_start3A_156 : memref<100000x128xf32, #tpu.memory_space<hbm>>) target(%dma_start3A_150 : memref<128x128xf32, #tpu.memory_space<vmem>>) offsets(%dma_start3A_153 : memref<128xi32, #tpu.memory_space<vmem>>) semaphore(%arg12 : memref<!tpu.dma_semaphore, #tpu.memory_space<semaphore_mem>>)
    %dma_start3A_157 = arith.constant 3 : i32
    %dma_start3A_158 = arith.constant 128 : i32
    %dma_start3A_159 = arith.constant 0 : i32
    %dma_start3A_160 = tpu.memref_slice %arg11[%dma_start3A_158, %dma_start3A_159] : memref<256x128xf32, #tpu.memory_space<vmem>> -> memref<128x128xf32, #tpu.memory_space<vmem>>
    %dma_start3A_161 = arith.constant 0 : i32
    %dma_start3A_162 = tpu.memref_slice %arg9[%dma_start3A_157, %dma_start3A_161] : memref<4x128xi32, #tpu.memory_space<vmem>> -> memref<1x128xi32, #tpu.memory_space<vmem>>
    %dma_start3A_163 = tpu.memref_squeeze %dma_start3A_162 : memref<1x128xi32, #tpu.memory_space<vmem>> -> memref<128xi32, #tpu.memory_space<vmem>>
    %dma_start3A_164 = arith.constant 0 : i32
    %dma_start3A_165 = arith.constant 0 : i32
    %dma_start3A_166 = tpu.memref_slice %arg5[%dma_start3A_164, %dma_start3A_165] : memref<100000x128xf32, #tpu.memory_space<hbm>> -> memref<100000x128xf32, #tpu.memory_space<hbm>>
    tpu.enqueue_indirect_dma source(%dma_start3A_166 : memref<100000x128xf32, #tpu.memory_space<hbm>>) target(%dma_start3A_160 : memref<128x128xf32, #tpu.memory_space<vmem>>) offsets(%dma_start3A_163 : memref<128xi32, #tpu.memory_space<vmem>>) semaphore(%arg12 : memref<!tpu.dma_semaphore, #tpu.memory_space<semaphore_mem>>)
    %dma_wait3A_167 = arith.constant 2 : i32
    %dma_wait3A_168 = arith.constant 0 : i32
    %dma_wait3A_169 = arith.constant 0 : i32
    %dma_wait3A_170 = tpu.memref_slice %arg11[%dma_wait3A_168, %dma_wait3A_169] : memref<256x128xf32, #tpu.memory_space<vmem>> -> memref<128x128xf32, #tpu.memory_space<vmem>>
    %dma_wait3A_171 = arith.constant 0 : i32
    %dma_wait3A_172 = tpu.memref_slice %arg9[%dma_wait3A_167, %dma_wait3A_171] : memref<4x128xi32, #tpu.memory_space<vmem>> -> memref<1x128xi32, #tpu.memory_space<vmem>>
    %dma_wait3A_173 = tpu.memref_squeeze %dma_wait3A_172 : memref<1x128xi32, #tpu.memory_space<vmem>> -> memref<128xi32, #tpu.memory_space<vmem>>
    %dma_wait3A_174 = arith.constant 0 : i32
    %dma_wait3A_175 = arith.constant 0 : i32
    %dma_wait3A_176 = tpu.memref_slice %arg5[%dma_wait3A_174, %dma_wait3A_175] : memref<100000x128xf32, #tpu.memory_space<hbm>> -> memref<100000x128xf32, #tpu.memory_space<hbm>>
    tpu.wait_indirect_dma semaphore(%arg12 : memref<!tpu.dma_semaphore, #tpu.memory_space<semaphore_mem>>) src(%dma_wait3A_176 : memref<100000x128xf32, #tpu.memory_space<hbm>>) dst(%dma_wait3A_170 : memref<128x128xf32, #tpu.memory_space<vmem>>)
    %dma_wait3A_177 = arith.constant 3 : i32
    %dma_wait3A_178 = arith.constant 128 : i32
    %dma_wait3A_179 = arith.constant 0 : i32
    %dma_wait3A_180 = tpu.memref_slice %arg11[%dma_wait3A_178, %dma_wait3A_179] : memref<256x128xf32, #tpu.memory_space<vmem>> -> memref<128x128xf32, #tpu.memory_space<vmem>>
    %dma_wait3A_181 = arith.constant 0 : i32
    %dma_wait3A_182 = tpu.memref_slice %arg9[%dma_wait3A_177, %dma_wait3A_181] : memref<4x128xi32, #tpu.memory_space<vmem>> -> memref<1x128xi32, #tpu.memory_space<vmem>>
    %dma_wait3A_183 = tpu.memref_squeeze %dma_wait3A_182 : memref<1x128xi32, #tpu.memory_space<vmem>> -> memref<128xi32, #tpu.memory_space<vmem>>
    %dma_wait3A_184 = arith.constant 0 : i32
    %dma_wait3A_185 = arith.constant 0 : i32
    %dma_wait3A_186 = tpu.memref_slice %arg5[%dma_wait3A_184, %dma_wait3A_185] : memref<100000x128xf32, #tpu.memory_space<hbm>> -> memref<100000x128xf32, #tpu.memory_space<hbm>>
    tpu.wait_indirect_dma semaphore(%arg12 : memref<!tpu.dma_semaphore, #tpu.memory_space<semaphore_mem>>) src(%dma_wait3A_186 : memref<100000x128xf32, #tpu.memory_space<hbm>>) dst(%dma_wait3A_180 : memref<128x128xf32, #tpu.memory_space<vmem>>)
    %add3A_187 = arith.constant 256 : i32
    %add3A_188 = arith.addi %mul3A_2, %add3A_187 : i32
    %dma_start3A_189 = arith.constant 0 : i32
    %dma_start3A_190 = tpu.memref_slice %arg7[%add3A_188, %dma_start3A_189] : memref<16384x128xf32, #tpu.memory_space<hbm>> -> memref<256x128xf32, #tpu.memory_space<hbm>>
    %dma_start3A_191 = arith.constant 0 : i32
    %dma_start3A_192 = tpu.memref_slice %arg7[%add3A_188, %dma_start3A_191] : memref<16384x128xf32, #tpu.memory_space<hbm>> -> memref<256x128xf32, #tpu.memory_space<hbm>>
    tpu.enqueue_dma source(%arg11 : memref<256x128xf32, #tpu.memory_space<vmem>>) target(%dma_start3A_192 : memref<256x128xf32, #tpu.memory_space<hbm>>) target_semaphore(%arg13 : memref<!tpu.dma_semaphore, #tpu.memory_space<semaphore_mem>>)
    %dma_wait3A_193 = arith.constant 0 : i32
    %dma_wait3A_194 = tpu.memref_slice %arg7[%add3A_138, %dma_wait3A_193] : memref<16384x128xf32, #tpu.memory_space<hbm>> -> memref<256x128xf32, #tpu.memory_space<hbm>>
    %dma_wait3A_195 = arith.constant 0 : i32
    %dma_wait3A_196 = tpu.memref_slice %arg7[%add3A_138, %dma_wait3A_195] : memref<16384x128xf32, #tpu.memory_space<hbm>> -> memref<256x128xf32, #tpu.memory_space<hbm>>
    tpu.wait_dma2 semaphore(%arg13 : memref<!tpu.dma_semaphore, #tpu.memory_space<semaphore_mem>>) src(%arg10 : memref<256x128xf32, #tpu.memory_space<vmem>>) dst(%dma_wait3A_196 : memref<256x128xf32, #tpu.memory_space<hbm>>)
    %dma_wait3A_197 = arith.constant 0 : i32
    %dma_wait3A_198 = tpu.memref_slice %arg7[%add3A_188, %dma_wait3A_197] : memref<16384x128xf32, #tpu.memory_space<hbm>> -> memref<256x128xf32, #tpu.memory_space<hbm>>
    %dma_wait3A_199 = arith.constant 0 : i32
    %dma_wait3A_200 = tpu.memref_slice %arg7[%add3A_188, %dma_wait3A_199] : memref<16384x128xf32, #tpu.memory_space<hbm>> -> memref<256x128xf32, #tpu.memory_space<hbm>>
    tpu.wait_dma2 semaphore(%arg13 : memref<!tpu.dma_semaphore, #tpu.memory_space<semaphore_mem>>) src(%arg11 : memref<256x128xf32, #tpu.memory_space<vmem>>) dst(%dma_wait3A_200 : memref<256x128xf32, #tpu.memory_space<hbm>>)
    return
  }
}

module attributes {stable_mosaic.version = 14 : i64} {
  func.func @_mlp_body(%arg0: i32, %arg1: memref<1024x128xf32, #tpu.memory_space<vmem>>, %arg2: memref<1024x128xf32, #tpu.memory_space<vmem>>, %arg3: memref<1024x128xf32, #tpu.memory_space<vmem>>, %arg4: memref<1024x128xf32, #tpu.memory_space<vmem>>, %arg5: memref<1024x128xf32, #tpu.memory_space<vmem>>, %arg6: memref<1024x128xf32, #tpu.memory_space<vmem>>, %arg7: memref<1024x128xf32, #tpu.memory_space<vmem>>, %arg8: memref<1024x128xf32, #tpu.memory_space<vmem>>, %arg9: memref<256x256xf32, #tpu.memory_space<vmem>>, %arg10: memref<1x256xf32, #tpu.memory_space<vmem>>, %arg11: memref<1x256xf32, #tpu.memory_space<vmem>>, %arg12: memref<1x256xf32, #tpu.memory_space<vmem>>, %arg13: memref<256x128xf32, #tpu.memory_space<vmem>>, %arg14: memref<1x128xf32, #tpu.memory_space<vmem>>, %arg15: memref<1x128xf32, #tpu.memory_space<vmem>>, %arg16: memref<1x128xf32, #tpu.memory_space<vmem>>, %arg17: memref<128x64xf32, #tpu.memory_space<vmem>>, %arg18: memref<1x64xf32, #tpu.memory_space<vmem>>, %arg19: memref<1x64xf32, #tpu.memory_space<vmem>>, %arg20: memref<1x64xf32, #tpu.memory_space<vmem>>, %arg21: memref<1x64xf32, #tpu.memory_space<vmem>>, %arg22: memref<1x1xf32, #tpu.memory_space<vmem>>, %arg23: memref<16384xf32, #tpu.memory_space<vmem>>, %arg24: memref<16384x256xf32, #tpu.memory_space<vmem>>, %arg25: memref<1x256xf32, #tpu.memory_space<vmem>>, %arg26: memref<1x256xf32, #tpu.memory_space<vmem>>) attributes {dimension_semantics = [#tpu.dimension_semantics<arbitrary>], iteration_bounds = array<i64: 4>, scalar_prefetch = 0 : i64, scratch_operands = 3 : i64, tpu.core_type = #tpu.core_type<tc>, window_params = [{transform_indices = @transform_0, window_bounds = array<i64: 1024, 128>}, {transform_indices = @transform_1, window_bounds = array<i64: 1024, 128>}, {transform_indices = @transform_2, window_bounds = array<i64: 1024, 128>}, {transform_indices = @transform_3, window_bounds = array<i64: 1024, 128>}, {transform_indices = @transform_4, window_bounds = array<i64: 1024, 128>}, {transform_indices = @transform_5, window_bounds = array<i64: 1024, 128>}, {transform_indices = @transform_6, window_bounds = array<i64: 1024, 128>}, {transform_indices = @transform_7, window_bounds = array<i64: 1024, 128>}, {pipeline_mode = #tpu.pipeline_mode<synchronous>, transform_indices = @transform_8, window_bounds = array<i64: 256, 256>}, {pipeline_mode = #tpu.pipeline_mode<synchronous>, transform_indices = @transform_9, window_bounds = array<i64: 1, 256>}, {pipeline_mode = #tpu.pipeline_mode<synchronous>, transform_indices = @transform_10, window_bounds = array<i64: 1, 256>}, {pipeline_mode = #tpu.pipeline_mode<synchronous>, transform_indices = @transform_11, window_bounds = array<i64: 1, 256>}, {pipeline_mode = #tpu.pipeline_mode<synchronous>, transform_indices = @transform_12, window_bounds = array<i64: 256, 128>}, {pipeline_mode = #tpu.pipeline_mode<synchronous>, transform_indices = @transform_13, window_bounds = array<i64: 1, 128>}, {pipeline_mode = #tpu.pipeline_mode<synchronous>, transform_indices = @transform_14, window_bounds = array<i64: 1, 128>}, {pipeline_mode = #tpu.pipeline_mode<synchronous>, transform_indices = @transform_15, window_bounds = array<i64: 1, 128>}, {pipeline_mode = #tpu.pipeline_mode<synchronous>, transform_indices = @transform_16, window_bounds = array<i64: 128, 64>}, {pipeline_mode = #tpu.pipeline_mode<synchronous>, transform_indices = @transform_17, window_bounds = array<i64: 1, 64>}, {pipeline_mode = #tpu.pipeline_mode<synchronous>, transform_indices = @transform_18, window_bounds = array<i64: 1, 64>}, {pipeline_mode = #tpu.pipeline_mode<synchronous>, transform_indices = @transform_19, window_bounds = array<i64: 1, 64>}, {pipeline_mode = #tpu.pipeline_mode<synchronous>, transform_indices = @transform_20, window_bounds = array<i64: 1, 64>}, {pipeline_mode = #tpu.pipeline_mode<synchronous>, transform_indices = @transform_21, window_bounds = array<i64: 1, 1>}, {pipeline_mode = #tpu.pipeline_mode<synchronous>, transform_indices = @transform_22, window_bounds = array<i64: 16384>}]} {
    %get3A = arith.constant 0 : index
    %get3A_0 = arith.constant 0 : index
    %get3A_1 = vector.load %arg9[%get3A, %get3A_0] : memref<256x256xf32, #tpu.memory_space<vmem>>, vector<256x256xf32>
    %convert_element_type3A = arith.truncf %get3A_1 : vector<256x256xf32> to vector<256x256xbf16>
    %slice3A = vector.extract_strided_slice %convert_element_type3A {offsets = [0, 0], sizes = [128, 256], strides = [1, 1]} : vector<256x256xbf16> to vector<128x256xbf16>
    %slice3A_2 = vector.extract_strided_slice %convert_element_type3A {offsets = [128, 0], sizes = [128, 256], strides = [1, 1]} : vector<256x256xbf16> to vector<128x256xbf16>
    %broadcast_in_dim3A = arith.constant 0.000000e+00 : f32
    %broadcast_in_dim3A_3 = vector.broadcast %broadcast_in_dim3A : f32 to vector<1x256xf32>
    %broadcast_in_dim3A_4 = arith.constant 0.000000e+00 : f32
    %broadcast_in_dim3A_5 = vector.broadcast %broadcast_in_dim3A_4 : f32 to vector<1x256xf32>
    %get3A_6 = arith.constant 0 : index
    %get3A_7 = arith.constant 0 : index
    %get3A_8 = vector.load %arg1[%get3A_6, %get3A_7] : memref<1024x128xf32, #tpu.memory_space<vmem>>, vector<1024x128xf32>
    %convert_element_type3A_9 = arith.truncf %get3A_8 : vector<1024x128xf32> to vector<1024x128xbf16>
    %dot_general3A = arith.constant dense<0.000000e+00> : vector<1024x256xf32>
    %dot_general3A_10 = tpu.matmul %convert_element_type3A_9, %slice3A, %dot_general3A {dimension_numbers = #tpu.dot_dimension_numbers<[1], [0], [0], [1], [0, 0, 1, 1], [], []>, transpose_lhs_hint = false} : vector<1024x128xbf16>, vector<128x256xbf16>, vector<1024x256xf32> -> vector<1024x256xf32>
    %get3A_11 = arith.constant 0 : index
    %get3A_12 = arith.constant 0 : index
    %get3A_13 = vector.load %arg5[%get3A_11, %get3A_12] : memref<1024x128xf32, #tpu.memory_space<vmem>>, vector<1024x128xf32>
    %convert_element_type3A_14 = arith.truncf %get3A_13 : vector<1024x128xf32> to vector<1024x128xbf16>
    %dot_general3A_15 = arith.constant dense<0.000000e+00> : vector<1024x256xf32>
    %dot_general3A_16 = tpu.matmul %convert_element_type3A_14, %slice3A_2, %dot_general3A_15 {dimension_numbers = #tpu.dot_dimension_numbers<[1], [0], [0], [1], [0, 0, 1, 1], [], []>, transpose_lhs_hint = false} : vector<1024x128xbf16>, vector<128x256xbf16>, vector<1024x256xf32> -> vector<1024x256xf32>
    %add3A = arith.addf %dot_general3A_10, %dot_general3A_16 : vector<1024x256xf32>
    %get3A_17 = arith.constant 0 : index
    %get3A_18 = arith.constant 0 : index
    %get3A_19 = vector.load %arg10[%get3A_17, %get3A_18] : memref<1x256xf32, #tpu.memory_space<vmem>>, vector<1x256xf32>
    %add3A_20 = vector.broadcast %get3A_19 : vector<1x256xf32> to vector<1024x256xf32>
    %add3A_21 = arith.addf %add3A, %add3A_20 : vector<1024x256xf32>
    %mul3A = arith.constant 1024 : i32
    %mul3A_22 = arith.muli %arg0, %mul3A : i32
    %add3A_23 = arith.constant 0 : i32
    %add3A_24 = arith.addi %add3A_23, %mul3A_22 : i32
    %swap3A = arith.index_cast %add3A_24 : i32 to index
    %swap3A_25 = arith.constant 0 : index
    %swap3A_26 = vector.load %arg24[%swap3A, %swap3A_25] : memref<16384x256xf32, #tpu.memory_space<vmem>>, vector<1024x256xf32>
    tpu.vector_store %arg24[%swap3A, %swap3A_25], %add3A_21 {strides = array<i32>} : memref<16384x256xf32, #tpu.memory_space<vmem>>, vector<1024x256xf32>,
    %reduce_sum3A = arith.constant dense<0.000000e+00> : vector<256xf32>
    %reduce_sum3A_27 = vector.multi_reduction <add>, %add3A_21, %reduce_sum3A [0] : vector<1024x256xf32> to vector<256xf32>
    %broadcast_in_dim3A_28 = vector.shape_cast %reduce_sum3A_27 : vector<256xf32> to vector<1x256xf32>
    %add3A_29 = arith.addf %broadcast_in_dim3A_3, %broadcast_in_dim3A_28 : vector<1x256xf32>
    %mul3A_30 = arith.mulf %add3A_21, %add3A_21 : vector<1024x256xf32>
    %reduce_sum3A_31 = arith.constant dense<0.000000e+00> : vector<256xf32>
    %reduce_sum3A_32 = vector.multi_reduction <add>, %mul3A_30, %reduce_sum3A_31 [0] : vector<1024x256xf32> to vector<256xf32>
    %broadcast_in_dim3A_33 = vector.shape_cast %reduce_sum3A_32 : vector<256xf32> to vector<1x256xf32>
    %add3A_34 = arith.addf %broadcast_in_dim3A_5, %broadcast_in_dim3A_33 : vector<1x256xf32>
    %get3A_35 = arith.constant 0 : index
    %get3A_36 = arith.constant 0 : index
    %get3A_37 = vector.load %arg2[%get3A_35, %get3A_36] : memref<1024x128xf32, #tpu.memory_space<vmem>>, vector<1024x128xf32>
    %convert_element_type3A_38 = arith.truncf %get3A_37 : vector<1024x128xf32> to vector<1024x128xbf16>
    %dot_general3A_39 = arith.constant dense<0.000000e+00> : vector<1024x256xf32>
    %dot_general3A_40 = tpu.matmul %convert_element_type3A_38, %slice3A, %dot_general3A_39 {dimension_numbers = #tpu.dot_dimension_numbers<[1], [0], [0], [1], [0, 0, 1, 1], [], []>, transpose_lhs_hint = false} : vector<1024x128xbf16>, vector<128x256xbf16>, vector<1024x256xf32> -> vector<1024x256xf32>
    %get3A_41 = arith.constant 0 : index
    %get3A_42 = arith.constant 0 : index
    %get3A_43 = vector.load %arg6[%get3A_41, %get3A_42] : memref<1024x128xf32, #tpu.memory_space<vmem>>, vector<1024x128xf32>
    %convert_element_type3A_44 = arith.truncf %get3A_43 : vector<1024x128xf32> to vector<1024x128xbf16>
    %dot_general3A_45 = arith.constant dense<0.000000e+00> : vector<1024x256xf32>
    %dot_general3A_46 = tpu.matmul %convert_element_type3A_44, %slice3A_2, %dot_general3A_45 {dimension_numbers = #tpu.dot_dimension_numbers<[1], [0], [0], [1], [0, 0, 1, 1], [], []>, transpose_lhs_hint = false} : vector<1024x128xbf16>, vector<128x256xbf16>, vector<1024x256xf32> -> vector<1024x256xf32>
    %add3A_47 = arith.addf %dot_general3A_40, %dot_general3A_46 : vector<1024x256xf32>
    %get3A_48 = arith.constant 0 : index
    %get3A_49 = arith.constant 0 : index
    %get3A_50 = vector.load %arg10[%get3A_48, %get3A_49] : memref<1x256xf32, #tpu.memory_space<vmem>>, vector<1x256xf32>
    %add3A_51 = vector.broadcast %get3A_50 : vector<1x256xf32> to vector<1024x256xf32>
    %add3A_52 = arith.addf %add3A_47, %add3A_51 : vector<1024x256xf32>
    %mul3A_53 = arith.constant 1024 : i32
    %mul3A_54 = arith.muli %arg0, %mul3A_53 : i32
    %add3A_55 = arith.constant 4096 : i32
    %add3A_56 = arith.addi %add3A_55, %mul3A_54 : i32
    %swap3A_57 = arith.index_cast %add3A_56 : i32 to index
    %swap3A_58 = arith.constant 0 : index
    %swap3A_59 = vector.load %arg24[%swap3A_57, %swap3A_58] : memref<16384x256xf32, #tpu.memory_space<vmem>>, vector<1024x256xf32>
    tpu.vector_store %arg24[%swap3A_57, %swap3A_58], %add3A_52 {strides = array<i32>} : memref<16384x256xf32, #tpu.memory_space<vmem>>, vector<1024x256xf32>,
    %reduce_sum3A_60 = arith.constant dense<0.000000e+00> : vector<256xf32>
    %reduce_sum3A_61 = vector.multi_reduction <add>, %add3A_52, %reduce_sum3A_60 [0] : vector<1024x256xf32> to vector<256xf32>
    %broadcast_in_dim3A_62 = vector.shape_cast %reduce_sum3A_61 : vector<256xf32> to vector<1x256xf32>
    %add3A_63 = arith.addf %add3A_29, %broadcast_in_dim3A_62 : vector<1x256xf32>
    %mul3A_64 = arith.mulf %add3A_52, %add3A_52 : vector<1024x256xf32>
    %reduce_sum3A_65 = arith.constant dense<0.000000e+00> : vector<256xf32>
    %reduce_sum3A_66 = vector.multi_reduction <add>, %mul3A_64, %reduce_sum3A_65 [0] : vector<1024x256xf32> to vector<256xf32>
    %broadcast_in_dim3A_67 = vector.shape_cast %reduce_sum3A_66 : vector<256xf32> to vector<1x256xf32>
    %add3A_68 = arith.addf %add3A_34, %broadcast_in_dim3A_67 : vector<1x256xf32>
    %get3A_69 = arith.constant 0 : index
    %get3A_70 = arith.constant 0 : index
    %get3A_71 = vector.load %arg3[%get3A_69, %get3A_70] : memref<1024x128xf32, #tpu.memory_space<vmem>>, vector<1024x128xf32>
    %convert_element_type3A_72 = arith.truncf %get3A_71 : vector<1024x128xf32> to vector<1024x128xbf16>
    %dot_general3A_73 = arith.constant dense<0.000000e+00> : vector<1024x256xf32>
    %dot_general3A_74 = tpu.matmul %convert_element_type3A_72, %slice3A, %dot_general3A_73 {dimension_numbers = #tpu.dot_dimension_numbers<[1], [0], [0], [1], [0, 0, 1, 1], [], []>, transpose_lhs_hint = false} : vector<1024x128xbf16>, vector<128x256xbf16>, vector<1024x256xf32> -> vector<1024x256xf32>
    %get3A_75 = arith.constant 0 : index
    %get3A_76 = arith.constant 0 : index
    %get3A_77 = vector.load %arg7[%get3A_75, %get3A_76] : memref<1024x128xf32, #tpu.memory_space<vmem>>, vector<1024x128xf32>
    %convert_element_type3A_78 = arith.truncf %get3A_77 : vector<1024x128xf32> to vector<1024x128xbf16>
    %dot_general3A_79 = arith.constant dense<0.000000e+00> : vector<1024x256xf32>
    %dot_general3A_80 = tpu.matmul %convert_element_type3A_78, %slice3A_2, %dot_general3A_79 {dimension_numbers = #tpu.dot_dimension_numbers<[1], [0], [0], [1], [0, 0, 1, 1], [], []>, transpose_lhs_hint = false} : vector<1024x128xbf16>, vector<128x256xbf16>, vector<1024x256xf32> -> vector<1024x256xf32>
    %add3A_81 = arith.addf %dot_general3A_74, %dot_general3A_80 : vector<1024x256xf32>
    %get3A_82 = arith.constant 0 : index
    %get3A_83 = arith.constant 0 : index
    %get3A_84 = vector.load %arg10[%get3A_82, %get3A_83] : memref<1x256xf32, #tpu.memory_space<vmem>>, vector<1x256xf32>
    %add3A_85 = vector.broadcast %get3A_84 : vector<1x256xf32> to vector<1024x256xf32>
    %add3A_86 = arith.addf %add3A_81, %add3A_85 : vector<1024x256xf32>
    %mul3A_87 = arith.constant 1024 : i32
    %mul3A_88 = arith.muli %arg0, %mul3A_87 : i32
    %add3A_89 = arith.constant 8192 : i32
    %add3A_90 = arith.addi %add3A_89, %mul3A_88 : i32
    %swap3A_91 = arith.index_cast %add3A_90 : i32 to index
    %swap3A_92 = arith.constant 0 : index
    %swap3A_93 = vector.load %arg24[%swap3A_91, %swap3A_92] : memref<16384x256xf32, #tpu.memory_space<vmem>>, vector<1024x256xf32>
    tpu.vector_store %arg24[%swap3A_91, %swap3A_92], %add3A_86 {strides = array<i32>} : memref<16384x256xf32, #tpu.memory_space<vmem>>, vector<1024x256xf32>,
    %reduce_sum3A_94 = arith.constant dense<0.000000e+00> : vector<256xf32>
    %reduce_sum3A_95 = vector.multi_reduction <add>, %add3A_86, %reduce_sum3A_94 [0] : vector<1024x256xf32> to vector<256xf32>
    %broadcast_in_dim3A_96 = vector.shape_cast %reduce_sum3A_95 : vector<256xf32> to vector<1x256xf32>
    %add3A_97 = arith.addf %add3A_63, %broadcast_in_dim3A_96 : vector<1x256xf32>
    %mul3A_98 = arith.mulf %add3A_86, %add3A_86 : vector<1024x256xf32>
    %reduce_sum3A_99 = arith.constant dense<0.000000e+00> : vector<256xf32>
    %reduce_sum3A_100 = vector.multi_reduction <add>, %mul3A_98, %reduce_sum3A_99 [0] : vector<1024x256xf32> to vector<256xf32>
    %broadcast_in_dim3A_101 = vector.shape_cast %reduce_sum3A_100 : vector<256xf32> to vector<1x256xf32>
    %add3A_102 = arith.addf %add3A_68, %broadcast_in_dim3A_101 : vector<1x256xf32>
    %get3A_103 = arith.constant 0 : index
    %get3A_104 = arith.constant 0 : index
    %get3A_105 = vector.load %arg4[%get3A_103, %get3A_104] : memref<1024x128xf32, #tpu.memory_space<vmem>>, vector<1024x128xf32>
    %convert_element_type3A_106 = arith.truncf %get3A_105 : vector<1024x128xf32> to vector<1024x128xbf16>
    %dot_general3A_107 = arith.constant dense<0.000000e+00> : vector<1024x256xf32>
    %dot_general3A_108 = tpu.matmul %convert_element_type3A_106, %slice3A, %dot_general3A_107 {dimension_numbers = #tpu.dot_dimension_numbers<[1], [0], [0], [1], [0, 0, 1, 1], [], []>, transpose_lhs_hint = false} : vector<1024x128xbf16>, vector<128x256xbf16>, vector<1024x256xf32> -> vector<1024x256xf32>
    %get3A_109 = arith.constant 0 : index
    %get3A_110 = arith.constant 0 : index
    %get3A_111 = vector.load %arg8[%get3A_109, %get3A_110] : memref<1024x128xf32, #tpu.memory_space<vmem>>, vector<1024x128xf32>
    %convert_element_type3A_112 = arith.truncf %get3A_111 : vector<1024x128xf32> to vector<1024x128xbf16>
    %dot_general3A_113 = arith.constant dense<0.000000e+00> : vector<1024x256xf32>
    %dot_general3A_114 = tpu.matmul %convert_element_type3A_112, %slice3A_2, %dot_general3A_113 {dimension_numbers = #tpu.dot_dimension_numbers<[1], [0], [0], [1], [0, 0, 1, 1], [], []>, transpose_lhs_hint = false} : vector<1024x128xbf16>, vector<128x256xbf16>, vector<1024x256xf32> -> vector<1024x256xf32>
    %add3A_115 = arith.addf %dot_general3A_108, %dot_general3A_114 : vector<1024x256xf32>
    %get3A_116 = arith.constant 0 : index
    %get3A_117 = arith.constant 0 : index
    %get3A_118 = vector.load %arg10[%get3A_116, %get3A_117] : memref<1x256xf32, #tpu.memory_space<vmem>>, vector<1x256xf32>
    %add3A_119 = vector.broadcast %get3A_118 : vector<1x256xf32> to vector<1024x256xf32>
    %add3A_120 = arith.addf %add3A_115, %add3A_119 : vector<1024x256xf32>
    %mul3A_121 = arith.constant 1024 : i32
    %mul3A_122 = arith.muli %arg0, %mul3A_121 : i32
    %add3A_123 = arith.constant 12288 : i32
    %add3A_124 = arith.addi %add3A_123, %mul3A_122 : i32
    %swap3A_125 = arith.index_cast %add3A_124 : i32 to index
    %swap3A_126 = arith.constant 0 : index
    %swap3A_127 = vector.load %arg24[%swap3A_125, %swap3A_126] : memref<16384x256xf32, #tpu.memory_space<vmem>>, vector<1024x256xf32>
    tpu.vector_store %arg24[%swap3A_125, %swap3A_126], %add3A_120 {strides = array<i32>} : memref<16384x256xf32, #tpu.memory_space<vmem>>, vector<1024x256xf32>,
    %reduce_sum3A_128 = arith.constant dense<0.000000e+00> : vector<256xf32>
    %reduce_sum3A_129 = vector.multi_reduction <add>, %add3A_120, %reduce_sum3A_128 [0] : vector<1024x256xf32> to vector<256xf32>
    %broadcast_in_dim3A_130 = vector.shape_cast %reduce_sum3A_129 : vector<256xf32> to vector<1x256xf32>
    %add3A_131 = arith.addf %add3A_97, %broadcast_in_dim3A_130 : vector<1x256xf32>
    %mul3A_132 = arith.mulf %add3A_120, %add3A_120 : vector<1024x256xf32>
    %reduce_sum3A_133 = arith.constant dense<0.000000e+00> : vector<256xf32>
    %reduce_sum3A_134 = vector.multi_reduction <add>, %mul3A_132, %reduce_sum3A_133 [0] : vector<1024x256xf32> to vector<256xf32>
    %broadcast_in_dim3A_135 = vector.shape_cast %reduce_sum3A_134 : vector<256xf32> to vector<1x256xf32>
    %add3A_136 = arith.addf %add3A_102, %broadcast_in_dim3A_135 : vector<1x256xf32>
    %eq3A = arith.constant 0 : i32
    %eq3A_137 = arith.cmpi eq, %arg0, %eq3A : i32
    %convert_element_type3A_138 = arith.extui %eq3A_137 : i1 to i32
    %cond3A = arith.constant 0 : i32
    %cond3A_139 = arith.cmpi ne, %convert_element_type3A_138, %cond3A : i32
    scf.if %cond3A_139 {
      %swap3A_149 = arith.constant 0 : index
      %swap3A_150 = arith.constant 0 : index
      %swap3A_151 = vector.load %arg25[%swap3A_149, %swap3A_150] : memref<1x256xf32, #tpu.memory_space<vmem>>, vector<1x256xf32>
      tpu.vector_store %arg25[%swap3A_149, %swap3A_150], %add3A_131 {strides = array<i32>} : memref<1x256xf32, #tpu.memory_space<vmem>>, vector<1x256xf32>,
      %swap3A_152 = arith.constant 0 : index
      %swap3A_153 = arith.constant 0 : index
      %swap3A_154 = vector.load %arg26[%swap3A_152, %swap3A_153] : memref<1x256xf32, #tpu.memory_space<vmem>>, vector<1x256xf32>
      tpu.vector_store %arg26[%swap3A_152, %swap3A_153], %add3A_136 {strides = array<i32>} : memref<1x256xf32, #tpu.memory_space<vmem>>, vector<1x256xf32>,
    } else {
    }
    %gt3A = arith.constant 0 : i32
    %gt3A_140 = arith.cmpi sgt, %arg0, %gt3A : i32
    %convert_element_type3A_141 = arith.extui %gt3A_140 : i1 to i32
    %cond3A_142 = arith.constant 0 : i32
    %cond3A_143 = arith.cmpi ne, %convert_element_type3A_141, %cond3A_142 : i32
    scf.if %cond3A_143 {
      %get3A_149 = arith.constant 0 : index
      %get3A_150 = arith.constant 0 : index
      %get3A_151 = vector.load %arg25[%get3A_149, %get3A_150] : memref<1x256xf32, #tpu.memory_space<vmem>>, vector<1x256xf32>
      %add3A_152 = arith.addf %get3A_151, %add3A_131 : vector<1x256xf32>
      %swap3A_153 = arith.constant 0 : index
      %swap3A_154 = arith.constant 0 : index
      %swap3A_155 = vector.load %arg25[%swap3A_153, %swap3A_154] : memref<1x256xf32, #tpu.memory_space<vmem>>, vector<1x256xf32>
      tpu.vector_store %arg25[%swap3A_153, %swap3A_154], %add3A_152 {strides = array<i32>} : memref<1x256xf32, #tpu.memory_space<vmem>>, vector<1x256xf32>,
      %get3A_156 = arith.constant 0 : index
      %get3A_157 = arith.constant 0 : index
      %get3A_158 = vector.load %arg26[%get3A_156, %get3A_157] : memref<1x256xf32, #tpu.memory_space<vmem>>, vector<1x256xf32>
      %add3A_159 = arith.addf %get3A_158, %add3A_136 : vector<1x256xf32>
      %swap3A_160 = arith.constant 0 : index
      %swap3A_161 = arith.constant 0 : index
      %swap3A_162 = vector.load %arg26[%swap3A_160, %swap3A_161] : memref<1x256xf32, #tpu.memory_space<vmem>>, vector<1x256xf32>
      tpu.vector_store %arg26[%swap3A_160, %swap3A_161], %add3A_159 {strides = array<i32>} : memref<1x256xf32, #tpu.memory_space<vmem>>, vector<1x256xf32>,
    } else {
    }
    %eq3A_144 = arith.constant 3 : i32
    %eq3A_145 = arith.cmpi eq, %arg0, %eq3A_144 : i32
    %convert_element_type3A_146 = arith.extui %eq3A_145 : i1 to i32
    %cond3A_147 = arith.constant 0 : i32
    %cond3A_148 = arith.cmpi ne, %convert_element_type3A_146, %cond3A_147 : i32
    scf.if %cond3A_148 {
      %get3A_149 = arith.constant 0 : index
      %get3A_150 = arith.constant 0 : index
      %get3A_151 = vector.load %arg25[%get3A_149, %get3A_150] : memref<1x256xf32, #tpu.memory_space<vmem>>, vector<1x256xf32>
      %mul3A_152 = arith.constant 6.10351563E-5 : f32
      %mul3A_153 = vector.broadcast %mul3A_152 : f32 to vector<1x256xf32>
      %mul3A_154 = arith.mulf %get3A_151, %mul3A_153 : vector<1x256xf32>
      %get3A_155 = arith.constant 0 : index
      %get3A_156 = arith.constant 0 : index
      %get3A_157 = vector.load %arg26[%get3A_155, %get3A_156] : memref<1x256xf32, #tpu.memory_space<vmem>>, vector<1x256xf32>
      %mul3A_158 = arith.constant 6.10351563E-5 : f32
      %mul3A_159 = vector.broadcast %mul3A_158 : f32 to vector<1x256xf32>
      %mul3A_160 = arith.mulf %get3A_157, %mul3A_159 : vector<1x256xf32>
      %mul3A_161 = arith.mulf %mul3A_154, %mul3A_154 : vector<1x256xf32>
      %sub3A = arith.subf %mul3A_160, %mul3A_161 : vector<1x256xf32>
      %get3A_162 = arith.constant 0 : index
      %get3A_163 = arith.constant 0 : index
      %get3A_164 = vector.load %arg24[%get3A_162, %get3A_163] : memref<16384x256xf32, #tpu.memory_space<vmem>>, vector<16384x256xf32>
      %get3A_165 = arith.constant 0 : index
      %get3A_166 = arith.constant 0 : index
      %get3A_167 = vector.load %arg11[%get3A_165, %get3A_166] : memref<1x256xf32, #tpu.memory_space<vmem>>, vector<1x256xf32>
      %get3A_168 = arith.constant 0 : index
      %get3A_169 = arith.constant 0 : index
      %get3A_170 = vector.load %arg12[%get3A_168, %get3A_169] : memref<1x256xf32, #tpu.memory_space<vmem>>, vector<1x256xf32>
      %add3A_171 = arith.constant 9.99999974E-6 : f32
      %add3A_172 = vector.broadcast %add3A_171 : f32 to vector<1x256xf32>
      %add3A_173 = arith.addf %sub3A, %add3A_172 : vector<1x256xf32>
      %rsqrt3A = math.rsqrt %add3A_173 : vector<1x256xf32>
      %mul3A_174 = arith.mulf %get3A_167, %rsqrt3A : vector<1x256xf32>
      %mul3A_175 = arith.mulf %mul3A_154, %mul3A_174 : vector<1x256xf32>
      %sub3A_176 = arith.subf %get3A_170, %mul3A_175 : vector<1x256xf32>
      %mul3A_177 = vector.broadcast %mul3A_174 : vector<1x256xf32> to vector<16384x256xf32>
      %mul3A_178 = arith.mulf %get3A_164, %mul3A_177 : vector<16384x256xf32>
      %add3A_179 = vector.broadcast %sub3A_176 : vector<1x256xf32> to vector<16384x256xf32>
      %add3A_180 = arith.addf %mul3A_178, %add3A_179 : vector<16384x256xf32>
      %max3A = arith.constant 0.000000e+00 : f32
      %max3A_181 = vector.broadcast %max3A : f32 to vector<16384x256xf32>
      %max3A_182 = arith.maximumf %add3A_180, %max3A_181 : vector<16384x256xf32>
      %convert_element_type3A_183 = arith.truncf %max3A_182 : vector<16384x256xf32> to vector<16384x256xbf16>
      %get3A_184 = arith.constant 0 : index
      %get3A_185 = arith.constant 0 : index
      %get3A_186 = vector.load %arg13[%get3A_184, %get3A_185] : memref<256x128xf32, #tpu.memory_space<vmem>>, vector<256x128xf32>
      %convert_element_type3A_187 = arith.truncf %get3A_186 : vector<256x128xf32> to vector<256x128xbf16>
      %dot_general3A_188 = arith.constant dense<0.000000e+00> : vector<16384x128xf32>
      %dot_general3A_189 = tpu.matmul %convert_element_type3A_183, %convert_element_type3A_187, %dot_general3A_188 {dimension_numbers = #tpu.dot_dimension_numbers<[1], [0], [0], [1], [0, 0, 1, 1], [], []>, transpose_lhs_hint = false} : vector<16384x256xbf16>, vector<256x128xbf16>, vector<16384x128xf32> -> vector<16384x128xf32>
      %get3A_190 = arith.constant 0 : index
      %get3A_191 = arith.constant 0 : index
      %get3A_192 = vector.load %arg14[%get3A_190, %get3A_191] : memref<1x128xf32, #tpu.memory_space<vmem>>, vector<1x128xf32>
      %add3A_193 = vector.broadcast %get3A_192 : vector<1x128xf32> to vector<16384x128xf32>
      %add3A_194 = arith.addf %dot_general3A_189, %add3A_193 : vector<16384x128xf32>
      %reduce_sum3A_195 = arith.constant dense<0.000000e+00> : vector<128xf32>
      %reduce_sum3A_196 = vector.multi_reduction <add>, %add3A_194, %reduce_sum3A_195 [0] : vector<16384x128xf32> to vector<128xf32>
      %broadcast_in_dim3A_197 = vector.shape_cast %reduce_sum3A_196 : vector<128xf32> to vector<1x128xf32>
      %div3A = arith.constant 1.638400e+04 : f32
      %div3A_198 = vector.broadcast %div3A : f32 to vector<1x128xf32>
      %div3A_199 = arith.divf %broadcast_in_dim3A_197, %div3A_198 : vector<1x128xf32>
      %mul3A_200 = arith.mulf %add3A_194, %add3A_194 : vector<16384x128xf32>
      %reduce_sum3A_201 = arith.constant dense<0.000000e+00> : vector<128xf32>
      %reduce_sum3A_202 = vector.multi_reduction <add>, %mul3A_200, %reduce_sum3A_201 [0] : vector<16384x128xf32> to vector<128xf32>
      %broadcast_in_dim3A_203 = vector.shape_cast %reduce_sum3A_202 : vector<128xf32> to vector<1x128xf32>
      %div3A_204 = arith.constant 1.638400e+04 : f32
      %div3A_205 = vector.broadcast %div3A_204 : f32 to vector<1x128xf32>
      %div3A_206 = arith.divf %broadcast_in_dim3A_203, %div3A_205 : vector<1x128xf32>
      %mul3A_207 = arith.mulf %div3A_199, %div3A_199 : vector<1x128xf32>
      %sub3A_208 = arith.subf %div3A_206, %mul3A_207 : vector<1x128xf32>
      %get3A_209 = arith.constant 0 : index
      %get3A_210 = arith.constant 0 : index
      %get3A_211 = vector.load %arg15[%get3A_209, %get3A_210] : memref<1x128xf32, #tpu.memory_space<vmem>>, vector<1x128xf32>
      %get3A_212 = arith.constant 0 : index
      %get3A_213 = arith.constant 0 : index
      %get3A_214 = vector.load %arg16[%get3A_212, %get3A_213] : memref<1x128xf32, #tpu.memory_space<vmem>>, vector<1x128xf32>
      %add3A_215 = arith.constant 9.99999974E-6 : f32
      %add3A_216 = vector.broadcast %add3A_215 : f32 to vector<1x128xf32>
      %add3A_217 = arith.addf %sub3A_208, %add3A_216 : vector<1x128xf32>
      %rsqrt3A_218 = math.rsqrt %add3A_217 : vector<1x128xf32>
      %mul3A_219 = arith.mulf %get3A_211, %rsqrt3A_218 : vector<1x128xf32>
      %mul3A_220 = arith.mulf %div3A_199, %mul3A_219 : vector<1x128xf32>
      %sub3A_221 = arith.subf %get3A_214, %mul3A_220 : vector<1x128xf32>
      %mul3A_222 = vector.broadcast %mul3A_219 : vector<1x128xf32> to vector<16384x128xf32>
      %mul3A_223 = arith.mulf %add3A_194, %mul3A_222 : vector<16384x128xf32>
      %add3A_224 = vector.broadcast %sub3A_221 : vector<1x128xf32> to vector<16384x128xf32>
      %add3A_225 = arith.addf %mul3A_223, %add3A_224 : vector<16384x128xf32>
      %max3A_226 = arith.constant 0.000000e+00 : f32
      %max3A_227 = vector.broadcast %max3A_226 : f32 to vector<16384x128xf32>
      %max3A_228 = arith.maximumf %add3A_225, %max3A_227 : vector<16384x128xf32>
      %convert_element_type3A_229 = arith.truncf %max3A_228 : vector<16384x128xf32> to vector<16384x128xbf16>
      %get3A_230 = arith.constant 0 : index
      %get3A_231 = arith.constant 0 : index
      %get3A_232 = vector.load %arg17[%get3A_230, %get3A_231] : memref<128x64xf32, #tpu.memory_space<vmem>>, vector<128x64xf32>
      %convert_element_type3A_233 = arith.truncf %get3A_232 : vector<128x64xf32> to vector<128x64xbf16>
      %dot_general3A_234 = arith.constant dense<0.000000e+00> : vector<16384x64xf32>
      %dot_general3A_235 = tpu.matmul %convert_element_type3A_229, %convert_element_type3A_233, %dot_general3A_234 {dimension_numbers = #tpu.dot_dimension_numbers<[1], [0], [0], [1], [0, 0, 1, 1], [], []>, transpose_lhs_hint = false} : vector<16384x128xbf16>, vector<128x64xbf16>, vector<16384x64xf32> -> vector<16384x64xf32>
      %get3A_236 = arith.constant 0 : index
      %get3A_237 = arith.constant 0 : index
      %get3A_238 = vector.load %arg18[%get3A_236, %get3A_237] : memref<1x64xf32, #tpu.memory_space<vmem>>, vector<1x64xf32>
      %add3A_239 = vector.broadcast %get3A_238 : vector<1x64xf32> to vector<16384x64xf32>
      %add3A_240 = arith.addf %dot_general3A_235, %add3A_239 : vector<16384x64xf32>
      %reduce_sum3A_241 = arith.constant dense<0.000000e+00> : vector<64xf32>
      %reduce_sum3A_242 = vector.multi_reduction <add>, %add3A_240, %reduce_sum3A_241 [0] : vector<16384x64xf32> to vector<64xf32>
      %broadcast_in_dim3A_243 = vector.shape_cast %reduce_sum3A_242 : vector<64xf32> to vector<1x64xf32>
      %div3A_244 = arith.constant 1.638400e+04 : f32
      %div3A_245 = vector.broadcast %div3A_244 : f32 to vector<1x64xf32>
      %div3A_246 = arith.divf %broadcast_in_dim3A_243, %div3A_245 : vector<1x64xf32>
      %mul3A_247 = arith.mulf %add3A_240, %add3A_240 : vector<16384x64xf32>
      %reduce_sum3A_248 = arith.constant dense<0.000000e+00> : vector<64xf32>
      %reduce_sum3A_249 = vector.multi_reduction <add>, %mul3A_247, %reduce_sum3A_248 [0] : vector<16384x64xf32> to vector<64xf32>
      %broadcast_in_dim3A_250 = vector.shape_cast %reduce_sum3A_249 : vector<64xf32> to vector<1x64xf32>
      %div3A_251 = arith.constant 1.638400e+04 : f32
      %div3A_252 = vector.broadcast %div3A_251 : f32 to vector<1x64xf32>
      %div3A_253 = arith.divf %broadcast_in_dim3A_250, %div3A_252 : vector<1x64xf32>
      %mul3A_254 = arith.mulf %div3A_246, %div3A_246 : vector<1x64xf32>
      %sub3A_255 = arith.subf %div3A_253, %mul3A_254 : vector<1x64xf32>
      %get3A_256 = arith.constant 0 : index
      %get3A_257 = arith.constant 0 : index
      %get3A_258 = vector.load %arg19[%get3A_256, %get3A_257] : memref<1x64xf32, #tpu.memory_space<vmem>>, vector<1x64xf32>
      %get3A_259 = arith.constant 0 : index
      %get3A_260 = arith.constant 0 : index
      %get3A_261 = vector.load %arg20[%get3A_259, %get3A_260] : memref<1x64xf32, #tpu.memory_space<vmem>>, vector<1x64xf32>
      %add3A_262 = arith.constant 9.99999974E-6 : f32
      %add3A_263 = vector.broadcast %add3A_262 : f32 to vector<1x64xf32>
      %add3A_264 = arith.addf %sub3A_255, %add3A_263 : vector<1x64xf32>
      %rsqrt3A_265 = math.rsqrt %add3A_264 : vector<1x64xf32>
      %mul3A_266 = arith.mulf %get3A_258, %rsqrt3A_265 : vector<1x64xf32>
      %mul3A_267 = arith.mulf %div3A_246, %mul3A_266 : vector<1x64xf32>
      %sub3A_268 = arith.subf %get3A_261, %mul3A_267 : vector<1x64xf32>
      %mul3A_269 = vector.broadcast %mul3A_266 : vector<1x64xf32> to vector<16384x64xf32>
      %mul3A_270 = arith.mulf %add3A_240, %mul3A_269 : vector<16384x64xf32>
      %add3A_271 = vector.broadcast %sub3A_268 : vector<1x64xf32> to vector<16384x64xf32>
      %add3A_272 = arith.addf %mul3A_270, %add3A_271 : vector<16384x64xf32>
      %max3A_273 = arith.constant 0.000000e+00 : f32
      %max3A_274 = vector.broadcast %max3A_273 : f32 to vector<16384x64xf32>
      %max3A_275 = arith.maximumf %add3A_272, %max3A_274 : vector<16384x64xf32>
      %transpose3A = tpu.transpose %max3A_275, [1, 0] : vector<16384x64xf32> -> vector<64x16384xf32>
      %get3A_276 = arith.constant 0 : index
      %get3A_277 = arith.constant 0 : index
      %get3A_278 = vector.load %arg21[%get3A_276, %get3A_277] : memref<1x64xf32, #tpu.memory_space<vmem>>, vector<1x64xf32>
      %dot_general3A_279 = arith.constant dense<0.000000e+00> : vector<1x16384xf32>
      %dot_general3A_280 = tpu.matmul %get3A_278, %transpose3A, %dot_general3A_279 {dimension_numbers = #tpu.dot_dimension_numbers<[1], [0], [0], [1], [0, 0, 1, 1], [], []>, transpose_lhs_hint = false} : vector<1x64xf32>, vector<64x16384xf32>, vector<1x16384xf32> -> vector<1x16384xf32>
      %get3A_281 = arith.constant 0 : index
      %get3A_282 = arith.constant 0 : index
      %get3A_283 = vector.load %arg22[%get3A_281, %get3A_282] : memref<1x1xf32, #tpu.memory_space<vmem>>, vector<1x1xf32>
      %add3A_284 = vector.broadcast %get3A_283 : vector<1x1xf32> to vector<1x16384xf32>
      %add3A_285 = arith.addf %dot_general3A_280, %add3A_284 : vector<1x16384xf32>
      %reshape3A = vector.shape_cast %add3A_285 : vector<1x16384xf32> to vector<16384xf32>
      %swap3A_286 = arith.constant 0 : index
      %swap3A_287 = vector.load %arg23[%swap3A_286] : memref<16384xf32, #tpu.memory_space<vmem>>, vector<16384xf32>
      tpu.vector_store %arg23[%swap3A_286], %reshape3A {strides = array<i32>} : memref<16384xf32, #tpu.memory_space<vmem>>, vector<16384xf32>,
    } else {
    }
    return
  }
  func.func @transform_0(%arg0: i32) -> (i32, i32) {
    %add3A = arith.constant 0 : i32
    %add3A_0 = arith.addi %arg0, %add3A : i32
    %c0_i32 = arith.constant 0 : i32
    %c0_i32_1 = arith.constant 0 : i32
    return %add3A_0, %c0_i32 : i32, i32
  }
  func.func @transform_1(%arg0: i32) -> (i32, i32) {
    %add3A = arith.constant 4 : i32
    %add3A_0 = arith.addi %arg0, %add3A : i32
    %c0_i32 = arith.constant 0 : i32
    %c0_i32_1 = arith.constant 0 : i32
    return %add3A_0, %c0_i32 : i32, i32
  }
  func.func @transform_2(%arg0: i32) -> (i32, i32) {
    %add3A = arith.constant 8 : i32
    %add3A_0 = arith.addi %arg0, %add3A : i32
    %c0_i32 = arith.constant 0 : i32
    %c0_i32_1 = arith.constant 0 : i32
    return %add3A_0, %c0_i32 : i32, i32
  }
  func.func @transform_3(%arg0: i32) -> (i32, i32) {
    %add3A = arith.constant 12 : i32
    %add3A_0 = arith.addi %arg0, %add3A : i32
    %c0_i32 = arith.constant 0 : i32
    %c0_i32_1 = arith.constant 0 : i32
    return %add3A_0, %c0_i32 : i32, i32
  }
  func.func @transform_4(%arg0: i32) -> (i32, i32) {
    %add3A = arith.constant 0 : i32
    %add3A_0 = arith.addi %arg0, %add3A : i32
    %c0_i32 = arith.constant 0 : i32
    %c0_i32_1 = arith.constant 0 : i32
    return %add3A_0, %c0_i32 : i32, i32
  }
  func.func @transform_5(%arg0: i32) -> (i32, i32) {
    %add3A = arith.constant 4 : i32
    %add3A_0 = arith.addi %arg0, %add3A : i32
    %c0_i32 = arith.constant 0 : i32
    %c0_i32_1 = arith.constant 0 : i32
    return %add3A_0, %c0_i32 : i32, i32
  }
  func.func @transform_6(%arg0: i32) -> (i32, i32) {
    %add3A = arith.constant 8 : i32
    %add3A_0 = arith.addi %arg0, %add3A : i32
    %c0_i32 = arith.constant 0 : i32
    %c0_i32_1 = arith.constant 0 : i32
    return %add3A_0, %c0_i32 : i32, i32
  }
  func.func @transform_7(%arg0: i32) -> (i32, i32) {
    %add3A = arith.constant 12 : i32
    %add3A_0 = arith.addi %arg0, %add3A : i32
    %c0_i32 = arith.constant 0 : i32
    %c0_i32_1 = arith.constant 0 : i32
    return %add3A_0, %c0_i32 : i32, i32
  }
  func.func @transform_8(%arg0: i32) -> (i32, i32) {
    %c0_i32 = arith.constant 0 : i32
    %c0_i32_0 = arith.constant 0 : i32
    %c0_i32_1 = arith.constant 0 : i32
    return %c0_i32, %c0_i32_0 : i32, i32
  }
  func.func @transform_9(%arg0: i32) -> (i32, i32) {
    %c0_i32 = arith.constant 0 : i32
    %c0_i32_0 = arith.constant 0 : i32
    %c0_i32_1 = arith.constant 0 : i32
    return %c0_i32, %c0_i32_0 : i32, i32
  }
  func.func @transform_10(%arg0: i32) -> (i32, i32) {
    %c0_i32 = arith.constant 0 : i32
    %c0_i32_0 = arith.constant 0 : i32
    %c0_i32_1 = arith.constant 0 : i32
    return %c0_i32, %c0_i32_0 : i32, i32
  }
  func.func @transform_11(%arg0: i32) -> (i32, i32) {
    %c0_i32 = arith.constant 0 : i32
    %c0_i32_0 = arith.constant 0 : i32
    %c0_i32_1 = arith.constant 0 : i32
    return %c0_i32, %c0_i32_0 : i32, i32
  }
  func.func @transform_12(%arg0: i32) -> (i32, i32) {
    %c0_i32 = arith.constant 0 : i32
    %c0_i32_0 = arith.constant 0 : i32
    %c0_i32_1 = arith.constant 0 : i32
    return %c0_i32, %c0_i32_0 : i32, i32
  }
  func.func @transform_13(%arg0: i32) -> (i32, i32) {
    %c0_i32 = arith.constant 0 : i32
    %c0_i32_0 = arith.constant 0 : i32
    %c0_i32_1 = arith.constant 0 : i32
    return %c0_i32, %c0_i32_0 : i32, i32
  }
  func.func @transform_14(%arg0: i32) -> (i32, i32) {
    %c0_i32 = arith.constant 0 : i32
    %c0_i32_0 = arith.constant 0 : i32
    %c0_i32_1 = arith.constant 0 : i32
    return %c0_i32, %c0_i32_0 : i32, i32
  }
  func.func @transform_15(%arg0: i32) -> (i32, i32) {
    %c0_i32 = arith.constant 0 : i32
    %c0_i32_0 = arith.constant 0 : i32
    %c0_i32_1 = arith.constant 0 : i32
    return %c0_i32, %c0_i32_0 : i32, i32
  }
  func.func @transform_16(%arg0: i32) -> (i32, i32) {
    %c0_i32 = arith.constant 0 : i32
    %c0_i32_0 = arith.constant 0 : i32
    %c0_i32_1 = arith.constant 0 : i32
    return %c0_i32, %c0_i32_0 : i32, i32
  }
  func.func @transform_17(%arg0: i32) -> (i32, i32) {
    %c0_i32 = arith.constant 0 : i32
    %c0_i32_0 = arith.constant 0 : i32
    %c0_i32_1 = arith.constant 0 : i32
    return %c0_i32, %c0_i32_0 : i32, i32
  }
  func.func @transform_18(%arg0: i32) -> (i32, i32) {
    %c0_i32 = arith.constant 0 : i32
    %c0_i32_0 = arith.constant 0 : i32
    %c0_i32_1 = arith.constant 0 : i32
    return %c0_i32, %c0_i32_0 : i32, i32
  }
  func.func @transform_19(%arg0: i32) -> (i32, i32) {
    %c0_i32 = arith.constant 0 : i32
    %c0_i32_0 = arith.constant 0 : i32
    %c0_i32_1 = arith.constant 0 : i32
    return %c0_i32, %c0_i32_0 : i32, i32
  }
  func.func @transform_20(%arg0: i32) -> (i32, i32) {
    %c0_i32 = arith.constant 0 : i32
    %c0_i32_0 = arith.constant 0 : i32
    %c0_i32_1 = arith.constant 0 : i32
    return %c0_i32, %c0_i32_0 : i32, i32
  }
  func.func @transform_21(%arg0: i32) -> (i32, i32) {
    %c0_i32 = arith.constant 0 : i32
    %c0_i32_0 = arith.constant 0 : i32
    %c0_i32_1 = arith.constant 0 : i32
    return %c0_i32, %c0_i32_0 : i32, i32
  }
  func.func @transform_22(%arg0: i32) -> i32 {
    %c0_i32 = arith.constant 0 : i32
    %c0_i32_0 = arith.constant 0 : i32
    return %c0_i32 : i32
  }
}

</mosaic_0001>

<sc_bundles>
// kernel: kernel.4.cloned.1.call-start
scs
__scs_entry_jumppad:
0x0: {  	(pc) =	sbr.rel $0x88, $3  }
0x1: {  	(tag) =	ssettag $0x0;
	lr =	simm.s32 $0x1  }
0x2: {  	[smem:$0x3F8E] =	sst lr;
	_ =	strace $0xD0000000  }
0x3: {  	_ = 	snop  }
0x4: {  	_ = 	snop  }
0x5: {  	_ = 	snop  }
0x6: {  	_ = 	snop  }
0x7: {  	_ = 	snop  }
__scs_overlays_trampoline_lowered:
0x8: {  	[smem:$0x3F9D] =	sst s0  }
0x9: {  	[smem:$0x3F9E] =	sst s1  }
0xa: {  	[smem:$0x3F9F] =	sst s2  }
0xb: {  	[smem:$0x3FA0] =	sst s3  }
0xc: {  	[smem:$0x3FA1] =	sst s4  }
0xd: {  	[smem:$0x3FA2] =	sst s5  }
0xe: {  	[smem:$0x3FA3] =	sst s6  }
0xf: {  	[smem:$0x3FA4] =	sst s7  }
0x10: {  	[smem:$0x3FA5] =	sst s8  }
0x11: {  	[smem:$0x3FA6] =	sst s9;
	s0 =	simm.s32 @!p0 $0x0  }
0x12: {  	s1 =	sld [smem:$0x3F8C];
	s0 =	simm.s32 @p0 $0x1  }
0x13: {  	[smem:$0x3FA7] =	sst s0;
	s0 =	simm.s32 @!p1 $0x0  }
0x14: {  	s2 =	sld [smem:$0x3F8B];
	s0 =	simm.s32 @p1 $0x1  }
0x15: {  	[smem:$0x3FA8] =	sst s0;
	s0 =	simm.s32 @!p2 $0x0  }
0x16: {  	s3 =	sld [smem:$0x3FDB];
	s0 =	simm.s32 @p2 $0x1  }
0x17: {  	s4 =	simm.s32 $0x1BF5;
	[smem:$0x3FAA] =	sst s0  }
0x18: {  	s0 =	sld [smem:$0x3F8D];
	_ =	swait.ge [sflag:s4], $0x0  }
0x19: {  	s7 =	sld [smem:$0x3F8E]  }
0x1a: {  	s8 =	sadd.s32 $0xFFFFE003, lr  }
0x1b: {  	s9 =	sadd.s32 $0xFFFFFEF7, lr;
	s5 =	simm.s32 $0xFFFFFFFF;
	p2 =	slt.u32 s8, $0xFFFFF086  }
0x1c: {  	p1 =	slt.u32 s9, $0xF7A;
	s5 =	simm.s32 @!p2 $0x0  }
0x1d: {  	s5 =	simm.s32 @p1 $0x1;
	p0 =	seq.s32 s7, s2  }
0x1e: {  	s7 =	smul.u32 @!p0 $0xF7A, s2;
	p2 =	seq.s32 @!p0 s5, $0x0  }
0x1f: {  	s9 =	smul.u32 $0xF7A, s1;
	s8 =	simm.s32 @!p0 $0x1BF5;
	p2 =	por !p2, p0  }
0x20: {  	[sflag:s8] =	ssyncset.s32 @!p0 $0xFFFFF086;
	s6 =	sadd.s32 @!p0 s3, s7;
	s7 =	simm.s32 @!p0 $0x108  }
0x21: {  	s3 =	sadd.s32 s3, s9;
	s6 =	sadd.s32 @!p0 $0x88, s6;
	s7 =	simm.s32 @p2 $0x1082  }
0x22: {  	[simem:s7], [sflag:s8] =	dma.local @!p0 [hbm:s6], $0xF7A  }
0x23: {  	s9 =	sor.u32 $0xD0000000, s2;
	s6 =	simm.s32 $0x108;
	_ =	swait.ge @!p0 [sflag:s8], $0x0  }
0x24: {  	s3 =	sadd.s32 $0x88, s3;
	s6 =	simm.s32 @!p1 $0x1082;
	[sflag:s4] =	ssyncset.s32 $0xFFFFF086  }
0x25: {  	[simem:s6], [sflag:s4] =	dma.local [hbm:s3], $0xF7A  }
0x26: {  	[smem:$0x3F8E] =	sst s1;
	(tag) =	ssettag s2;
	_ =	strace s9  }
0x27: {  	s1 =	sld [smem:$0x3F9E]  }
0x28: {  	s2 =	sld [smem:$0x3F9F]  }
0x29: {  	s4 =	sld [smem:$0x3FA1]  }
0x2a: {  	p0 =	seq.s32 s5, $0x0;
	s5 =	sld [smem:$0x3FA2]  }
0x2b: {  	s6 =	sld [smem:$0x3FA3]  }
0x2c: {  	s7 =	sld [smem:$0x3FA4]  }
0x2d: {  	s3 =	simm.s32 $0x108;
	s8 =	sld [smem:$0x3FA5]  }
0x2e: {  	s3 =	simm.s32 @!p0 $0x1082;
	s9 =	sld [smem:$0x3FA6]  }
0x2f: {  	lr =	sadd.s32 s0, s3;
	s0 =	sld [smem:$0x3F9D]  }
0x30: {  	s3 =	sld [smem:$0x3FA0]  }
0x31: {  	[smem:$0x3FA9] =	sst s10  }
0x32: {  	s10 =	sld [smem:$0x3FA7];
	_ =	sdelay $0x3  }
0x33: {  	p0 =	seq.s32 s10, $0x1;
	s10 =	sld [smem:$0x3FA9];
	_ =	sdelay $0x3  }
0x34: {  	[smem:$0x3FA9] =	sst s10  }
0x35: {  	s10 =	sld [smem:$0x3FA8];
	_ =	sdelay $0x3  }
0x36: {  	p1 =	seq.s32 s10, $0x1;
	s10 =	sld [smem:$0x3FA9];
	_ =	sdelay $0x3  }
0x37: {  	[smem:$0x3FA9] =	sst s10  }
0x38: {  	s10 =	sld [smem:$0x3FAA]  }
0x39: {  	_ = 	snop;
	(pc) =	sbr.ind lr, $3  }
0x3a: {  	_ = 	snop  }
0x3b: {  	_ = 	snop  }
0x3c: {  	p2 =	seq.s32 s10, $0x1;
	s10 =	sld [smem:$0x3FA9]  }
0x3d: {  	_ =	shalt  }
0x3e: {  	_ =	shalt  }
0x3f: {  	_ =	shalt  }
0x40: {  	_ =	shalt  }
0x41: {  	_ =	shalt  }
0x42: {  	_ =	shalt  }
0x43: {  	_ =	shalt  }
0x44: {  	_ =	shalt  }
0x45: {  	_ =	shalt  }
0x46: {  	_ =	shalt  }
0x47: {  	_ =	shalt  }
0x48: {  	_ =	shalt  }
0x49: {  	_ =	shalt  }
0x4a: {  	_ =	shalt  }
0x4b: {  	_ =	shalt  }
0x4c: {  	_ =	shalt  }
0x4d: {  	_ =	shalt  }
0x4e: {  	_ =	shalt  }
0x4f: {  	_ =	shalt  }
0x50: {  	_ =	shalt  }
0x51: {  	_ =	shalt  }
0x52: {  	_ =	shalt  }
0x53: {  	_ =	shalt  }
0x54: {  	_ =	shalt  }
0x55: {  	_ =	shalt  }
0x56: {  	_ =	shalt  }
0x57: {  	_ =	shalt  }
0x58: {  	_ =	shalt  }
0x59: {  	_ =	shalt  }
0x5a: {  	_ =	shalt  }
0x5b: {  	_ =	shalt  }
0x5c: {  	_ =	shalt  }
0x5d: {  	_ =	shalt  }
0x5e: {  	_ =	shalt  }
0x5f: {  	_ =	shalt  }
0x60: {  	_ =	shalt  }
0x61: {  	_ =	shalt  }
0x62: {  	_ =	shalt  }
0x63: {  	_ =	shalt  }
0x64: {  	_ =	shalt  }
0x65: {  	_ =	shalt  }
0x66: {  	_ =	shalt  }
0x67: {  	_ =	shalt  }
0x68: {  	_ =	shalt  }
0x69: {  	_ =	shalt  }
0x6a: {  	_ =	shalt  }
0x6b: {  	_ =	shalt  }
0x6c: {  	_ =	shalt  }
0x6d: {  	_ =	shalt  }
0x6e: {  	_ =	shalt  }
0x6f: {  	_ =	shalt  }
0x70: {  	_ =	shalt  }
0x71: {  	_ =	shalt  }
0x72: {  	_ =	shalt  }
0x73: {  	_ =	shalt  }
0x74: {  	_ =	shalt  }
0x75: {  	_ =	shalt  }
0x76: {  	_ =	shalt  }
0x77: {  	_ =	shalt  }
0x78: {  	_ =	shalt  }
0x79: {  	_ =	shalt  }
0x7a: {  	_ =	shalt  }
0x7b: {  	_ =	shalt  }
0x7c: {  	_ =	shalt  }
0x7d: {  	_ =	shalt  }
0x7e: {  	_ =	shalt  }
0x7f: {  	_ =	shalt  }
0x80: {  	_ =	shalt  }
0x81: {  	_ =	shalt  }
0x82: {  	_ =	shalt  }
0x83: {  	_ =	shalt  }
0x84: {  	_ =	shalt  }
0x85: {  	_ =	shalt  }
0x86: {  	_ =	shalt  }
0x87: {  	_ =	shalt  }
.Lfunc_end0:
.L_simem_size_0:
called_computation_lowered:
.L_overlay_start_0:
0x88: {  	s2 =	sld [smem:$0x3FD9]  }
0x89: {  	s3 =	sld [smem:$0x3FFE];
	_ =	sdelay $0x1  }
0x8a: {  	s1 =	srdreg.scid  }
0x8b: {  	s0 =	sand.u32 $0x1, s1  }
0x8c: {  	s17 =	sshll.u32 s0, $0xA;
	s2 =	sadd.s32 s3, s2  }
0x8d: {  	s2 =	sadd.s32 s2, s17  }
0x8e: {  	[smem:$0x3FB5] =	sst s2  }
0x8f: {  	_ = 	snop  }
0x90: {  	s2 =	sld [smem:$0x3FC9]  }
0x91: {  	s18 =	sld [smem:$0x3FC8]  }
0x92: {  	s4 =	sld [smem:$0x3FC7]  }
0x93: {  	s5 =	sld [smem:$0x3FC6];
	(tm) =	ssettm $0x1  }
0x94: {  	s6 =	sld [smem:$0x3FFB];
	_ =	sdelay $0x3  }
0x95: {  	_ =	strace s6  }
0x96: {  	s6 =	sld [smem:$0x3FFC];
	_ =	sdelay $0x3  }
0x97: {  	_ =	strace s6  }
0x98: {  	s6 =	sld [smem:$0x3FFD];
	_ =	sdelay $0x3  }
0x99: {  	_ =	strace s6  }
0x9a: {  	_ =	strace $0x8FFFFFFF  }
0x9b: {  	s19 =	sld [smem:$0x3FDB];
	_ =	sdelay $0x1  }
0x9c: {  	s7 =	simm.s32 $_scs_section_size  }
0x9d: {  	s8 =	simm.s32 $_size__tile_overlayer_lowered;
	s9 =	simm.s32 $_tile_overlayer_lowered  }
0x9e: {  	s22 =	simm.s32 $0x1BFF;
	s21 =	sshll.u32 s9, $0x1;
	s6 =	sadd.s32 s7, s19  }
0x9f: {  	s10 =	simm.s32 $0x0;
	s20 =	sshll.u32 s8, $0x1;
	s8 =	sadd.s32 s21, s6  }
0xa0: {  	[timem:s10], [sflag:s22] =	dma.local [hbm:s8], s20  }
0xa1: {  	_ =	swait.ge [sflag:s22], s20  }
0xa2: {  	s7 =	ssub.s32 $0x0, s20;
	[sflag:s22] =	ssyncset.done $0x0  }
0xa3: {  	[sflag:s22] =	ssyncadd.s32 s7;
	_ =	sdelay $0x1  }
0xa4: {  	s23 =	simm.s32 $0x1B8B  }
0xa5: {  	_ =	swait.ge [sflag:s23], $0x1  }
0xa6: {  	[sflag:s23] =	ssyncset.done $0x0  }
0xa7: {  	s25 =	simm.s32 $0x1B8E;
	s24 =	sld [smem:$0x3FFE];
	[sflag:s23] =	ssyncadd.s32 $0xFFFFFFFF  }
0xa8: {  	s26 =	simm.s32 $execute0_lowered;
	[smem:$0x3FD2] =	sst s25  }
0xa9: {  	s8 =	sshll.u32 s26, $0x1;
	_ =	strace $0x80000046;
	[dreg:$0x1] =	wrdreg $0xFFFFFFFF  }
0xaa: {  	s28 =	simm.s32 $_size_execute0_lowered;
	s6 =	sadd.s32 s6, s8;
	[dreg:$0x0] =	wrdreg $0x0  }
0xab: {  	s8 =	sshll.u32 s28, $0x1;
	[dreg:$0x2] =	wrdreg s6  }
0xac: {  	[dreg:$0x3] =	wrdreg s8  }
0xad: {  	[dreg:$0x4] =	wrdreg $0xC0  }
0xae: {  	_ =	task [dreg:s10], $0x5FFFF  }
0xaf: {  	[dreg:$0x1] =	wrdreg $0xFFFFFFFF  }
0xb0: {  	[dreg:$0x0] =	wrdreg $0x60  }
0xb1: {  	[dreg:$0x2] =	wrdreg s2  }
0xb2: {  	[dreg:$0x3] =	wrdreg s18  }
0xb3: {  	[dreg:$0x4] =	wrdreg s4  }
0xb4: {  	[dreg:$0x5] =	wrdreg s5  }
0xb5: {  	[dreg:$0x6] =	wrdreg s24  }
0xb6: {  	[dreg:$0x7] =	wrdreg $0x9  }
0xb7: {  	_ =	task.clear_ibuf [dreg:s10], $0x8FFFF;
	_ =	strace $0x90000046  }
0xb8: {  	s29 =	simm.s32 $0x9;
	_ =	strace $0x80000048  }
0xb9: {  	_ =	swait.ge [sflag:s29], $0x1  }
0xba: {  	[sflag:s29] =	ssyncadd.s32 $0xFFFFFFFF  }
0xbb: {  	_ =	strace $0x90000048  }
0xbc: {  	_ =	sfence  }
0xbd: {  	s30 =	sld [smem:$0x0];
	_ =	sdelay $0x2  }
0xbe: {  	s31 =	sshll.u32 s1, $0xD;
	s1 =	sshrl.u32 s1, $0x2  }
0xbf: {  	s3 =	sand.u32 $0x4000, s31;
	s1 =	sadd.s32 s1, s30  }
0xc0: {  	s0 =	sor.u32 s3, s0;
	s1 =	sshll.u32 s1, $0x11  }
0xc1: {  	s0 =	sor.u32 s1, s0  }
0xc2: {  	s0 =	sadd.s32 $0x8F2B, s0  }
0xc3: {  	[sflag:s0] =	ssyncadd.remote.s32 $0x1  }
0xc4: {  	_ =	sfence.sel $0xFFFF  }
0xc5: {  	[dreg:$0x0] =	wrdreg $0xFFFFFFFF;
	(pc) =	sbr.abs _section_cstart, $3  }
0xc6: {  	[dreg:$0x1] =	wrdreg $0xFFFFFFFF  }
0xc7: {  	_ =	task.clear_ibuf [dreg:s10], $0x2FFFF;
	_ =	strace $0x9FFFFFFF  }
0xc8: {  	(tm) =	ssettm $0x7FFFFFFF  }
0xc9: {  	_ =	shalt  }
tec
execute0_lowered:
.L_overlay_start_1:
0x0: {  	(tag) =	ssettag $0x1  }
0x1: {  	s5 =	rddreg [dreg:$0x0]  }
0x2: {  	s7 =	rddreg [dreg:$0x1]  }
0x3: {  	s1 =	rddreg [dreg:$0x2];
	s2 =	srdreg.scid  }
0x4: {  	s3 =	rddreg [dreg:$0x3];
	s0 =	stileid.u32;
	s25 =	sand.u32 $0x1, s2  }
0x5: {  	s21 =	rddreg [dreg:$0x4];
	s6 =	sshll.u32 s0, $0xA;
	s8 =	sshll.u32 s25, $0x9  }
0x6: {  	s4 =	simm.s32 $0x0;
	s2 =	rddreg [dreg:$0x5];
	s13 =	sor.u32 s8, s6  }
0x7: {  	[smem:$0x7FF] =	sst s4;
	s8 =	sshrl.u32 s13, $0x3  }
0x8: {  	_ =	strace $0x80000047;
	s6 =	simm.s32 $0x3;
	s5 =	sadd.s32 s5, s8  }
0x9: {  	[tilespmem:s4], [sflag:$0x3] =	stream.linear.gather [hbm4b:s5+s4], $0x200, $0x38;
	[tilespmem:$0x10400] =	vst v63  }
0xa: {  	_ =	swait.ge [sflag:s6], $0x200  }
0xb: {  	[sflag:s6] =	ssyncset.done $0x0  }
0xc: {  	s7 =	sadd.s32 s7, s8;
	s8 =	simm.s32 $0x200;
	[sflag:s6] =	ssyncadd.s32 $0xFFFFFE00  }
0xd: {  	[tilespmem:s8], [sflag:$0x3] =	stream.linear.gather [hbm4b:s7+s4], $0x200, $0x38;
	[tilespmem:$0x10400] =	vst v63  }
0xe: {  	_ =	swait.ge [sflag:s6], $0x200  }
0xf: {  	[sflag:s6] =	ssyncset.done $0x0  }
0x10: {  	s9 =	simm.s32 $0x80;
	s10 =	simm.s32 $0x400;
	[sflag:s6] =	ssyncadd.s32 $0xFFFFFE00  }
0x11: {  	[tilespmem:s10], [sflag:$0x1] =	stream.indirect.gather [hbm4b:s1+s9], $0x80, s4, s9, $0xb8;
	[tilespmem:$0x10400] =	vst v63  }
0x12: {  	s11 =	simm.s32 $0x4400;
	s12 =	simm.s32 $0x1  }
0x13: {  	[tilespmem:s11], [sflag:$0x1] =	stream.indirect.gather [hbm4b:s1+s9], $0x80, s9, s9, $0xb8;
	[tilespmem:$0x10400] =	vst v63  }
0x14: {  	_ =	swait.ge [sflag:s12], $0x4000  }
0x15: {  	[sflag:s12] =	ssyncset.done $0x0  }
0x16: {  	[sflag:s12] =	ssyncadd.s32 $0xFFFFC000  }
0x17: {  	_ =	swait.ge [sflag:s12], $0x4000  }
0x18: {  	s18 =	sadd.s32 $0x2600, s21;
	s22 =	sshll.u32 s13, $0x4;
	[sflag:s12] =	ssyncset.done $0x0  }
0x19: {  	s13 =	sadd.s32 s18, s22;
	[sflag:s12] =	ssyncadd.s32 $0xFFFFC000  }
0x1a: {  	[hbm4b:s13+s4] =	stream.linear.scatter [tilespmem:s10], [sflag:$0x2], $0x8000, $0x38;
	[tilespmem:$0x10400] =	vst v63  }
0x1b: {  	s14 =	simm.s32 $0x100;
	s15 =	simm.s32 $0x8400  }
0x1c: {  	[tilespmem:s15], [sflag:$0x1] =	stream.indirect.gather [hbm4b:s1+s9], $0x80, s14, s9, $0xb8;
	[tilespmem:$0x10400] =	vst v63  }
0x1d: {  	s16 =	simm.s32 $0x180;
	s17 =	simm.s32 $0xC400  }
0x1e: {  	[tilespmem:s17], [sflag:$0x1] =	stream.indirect.gather [hbm4b:s1+s9], $0x80, s16, s9, $0xb8;
	[tilespmem:$0x10400] =	vst v63  }
0x1f: {  	_ =	swait.ge [sflag:s12], $0x4000  }
0x20: {  	[sflag:s12] =	ssyncset.done $0x0  }
0x21: {  	[sflag:s12] =	ssyncadd.s32 $0xFFFFC000  }
0x22: {  	_ =	swait.ge [sflag:s12], $0x4000  }
0x23: {  	s24 =	sor.u32 $0x1000, s22;
	[sflag:s12] =	ssyncset.done $0x0  }
0x24: {  	s19 =	sadd.s32 s18, s24;
	s18 =	simm.s32 $0x2;
	[sflag:s12] =	ssyncadd.s32 $0xFFFFC000  }
0x25: {  	[hbm4b:s19+s4] =	stream.linear.scatter [tilespmem:s15], [sflag:$0x2], $0x8000, $0x38;
	[tilespmem:$0x10400] =	vst v63  }
0x26: {  	_ =	swait.ge [sflag:s18], $0x8000  }
0x27: {  	[sflag:s18] =	ssyncset.done $0x0  }
0x28: {  	[sflag:s18] =	ssyncadd.s32 $0xFFFF8000  }
0x29: {  	[tilespmem:s10], [sflag:$0x1] =	stream.indirect.gather [hbm4b:s3+s9], $0x80, s8, s9, $0xb8;
	[tilespmem:$0x10400] =	vst v63  }
0x2a: {  	s20 =	simm.s32 $0x280  }
0x2b: {  	[tilespmem:s11], [sflag:$0x1] =	stream.indirect.gather [hbm4b:s3+s9], $0x80, s20, s9, $0xb8;
	[tilespmem:$0x10400] =	vst v63  }
0x2c: {  	_ =	swait.ge [sflag:s12], $0x4000  }
0x2d: {  	[sflag:s12] =	ssyncset.done $0x0  }
0x2e: {  	[sflag:s12] =	ssyncadd.s32 $0xFFFFC000  }
0x2f: {  	_ =	swait.ge [sflag:s12], $0x4000  }
0x30: {  	s26 =	sadd.s32 $0x42600, s21;
	[sflag:s12] =	ssyncset.done $0x0  }
0x31: {  	s21 =	sadd.s32 s26, s22;
	[sflag:s12] =	ssyncadd.s32 $0xFFFFC000  }
0x32: {  	[hbm4b:s21+s4] =	stream.linear.scatter [tilespmem:s10], [sflag:$0x2], $0x8000, $0x38;
	[tilespmem:$0x10400] =	vst v63  }
0x33: {  	_ =	swait.ge [sflag:s18], $0x8000  }
0x34: {  	[sflag:s18] =	ssyncset.done $0x0  }
0x35: {  	s22 =	simm.s32 $0x300;
	[sflag:s18] =	ssyncadd.s32 $0xFFFF8000  }
0x36: {  	[tilespmem:s15], [sflag:$0x1] =	stream.indirect.gather [hbm4b:s3+s9], $0x80, s22, s9, $0xb8;
	[tilespmem:$0x10400] =	vst v63  }
0x37: {  	s23 =	simm.s32 $0x380  }
0x38: {  	[tilespmem:s17], [sflag:$0x1] =	stream.indirect.gather [hbm4b:s3+s9], $0x80, s23, s9, $0xb8;
	[tilespmem:$0x10400] =	vst v63  }
0x39: {  	_ =	swait.ge [sflag:s12], $0x4000  }
0x3a: {  	s25 =	ssub.s32 $0x2, s25;
	[sflag:s12] =	ssyncset.done $0x0  }
0x3b: {  	s31 =	sshrl.u32 s25, $0x1;
	[sflag:s12] =	ssyncadd.s32 $0xFFFFC000  }
0x3c: {  	s25 =	ssub.s32 s25, s31;
	_ =	swait.ge [sflag:s12], $0x4000  }
0x3d: {  	s25 =	smax.u32 s25, $0x1;
	[sflag:s12] =	ssyncset.done $0x0  }
0x3e: {  	s24 =	sadd.s32 s26, s24;
	p0 =	sne.s32 s25, $0x1;
	[sflag:s12] =	ssyncadd.s32 $0xFFFFC000  }
0x3f: {  	[hbm4b:s24+s4] =	stream.linear.scatter [tilespmem:s15], [sflag:$0x2], $0x8000, $0x38;
	[tilespmem:$0x10400] =	vst v63  }
.Ltmp0:
0x40: {  	_ =	swait.ge [sflag:s18], $0x8000;
	(pc) =	sbr.rel @!p0 .LBB2_2-.Ltmp0, $4  }
0x41: {  	[sflag:s18] =	ssyncset.done $0x0  }
0x42: {  	[sflag:s18] =	ssyncadd.s32 $0xFFFF8000  }
0x43: {  	_ =	swait.ge [sflag:s18], $0x8000  }
0x44: {  	s25 =	sadd.s32 $0xFFFFFFFF, s25;
	[sflag:s18] =	ssyncset.done $0x0  }
.LBB2_1:
0x45: {  	p0 =	sne.s32 s25, $0x1;
	s25 =	sadd.s32 $0xFFFFFFFF, s25;
	[sflag:s18] =	ssyncadd.s32 $0xFFFF8000  }
0x46: {  	[tilespmem:s4], [sflag:$0x3] =	stream.linear.gather [hbm4b:s5+s4], $0x200, $0x38;
	[tilespmem:$0x10400] =	vst v63  }
0x47: {  	_ =	swait.ge [sflag:s6], $0x200  }
0x48: {  	[sflag:s6] =	ssyncset.done $0x0  }
0x49: {  	[sflag:s6] =	ssyncadd.s32 $0xFFFFFE00  }
0x4a: {  	[tilespmem:s8], [sflag:$0x3] =	stream.linear.gather [hbm4b:s7+s4], $0x200, $0x38;
	[tilespmem:$0x10400] =	vst v63  }
0x4b: {  	_ =	swait.ge [sflag:s6], $0x200  }
0x4c: {  	[sflag:s6] =	ssyncset.done $0x0  }
0x4d: {  	[sflag:s6] =	ssyncadd.s32 $0xFFFFFE00  }
0x4e: {  	[tilespmem:s10], [sflag:$0x1] =	stream.indirect.gather [hbm4b:s1+s9], $0x80, s4, s9, $0xb8;
	[tilespmem:$0x10400] =	vst v63  }
0x4f: {  	_ = 	snop  }
0x50: {  	[tilespmem:s11], [sflag:$0x1] =	stream.indirect.gather [hbm4b:s1+s9], $0x80, s9, s9, $0xb8;
	[tilespmem:$0x10400] =	vst v63  }
0x51: {  	_ =	swait.ge [sflag:s12], $0x4000  }
0x52: {  	[sflag:s12] =	ssyncset.done $0x0  }
0x53: {  	[sflag:s12] =	ssyncadd.s32 $0xFFFFC000  }
0x54: {  	_ =	swait.ge [sflag:s12], $0x4000  }
0x55: {  	[sflag:s12] =	ssyncset.done $0x0  }
0x56: {  	[sflag:s12] =	ssyncadd.s32 $0xFFFFC000  }
0x57: {  	[hbm4b:s13+s4] =	stream.linear.scatter [tilespmem:s10], [sflag:$0x2], $0x8000, $0x38;
	[tilespmem:$0x10400] =	vst v63  }
0x58: {  	_ = 	snop  }
0x59: {  	[tilespmem:s15], [sflag:$0x1] =	stream.indirect.gather [hbm4b:s1+s9], $0x80, s14, s9, $0xb8;
	[tilespmem:$0x10400] =	vst v63  }
0x5a: {  	_ = 	snop  }
0x5b: {  	[tilespmem:s17], [sflag:$0x1] =	stream.indirect.gather [hbm4b:s1+s9], $0x80, s16, s9, $0xb8;
	[tilespmem:$0x10400] =	vst v63  }
0x5c: {  	_ =	swait.ge [sflag:s12], $0x4000  }
0x5d: {  	[sflag:s12] =	ssyncset.done $0x0  }
0x5e: {  	[sflag:s12] =	ssyncadd.s32 $0xFFFFC000  }
0x5f: {  	_ =	swait.ge [sflag:s12], $0x4000  }
0x60: {  	[sflag:s12] =	ssyncset.done $0x0  }
0x61: {  	[sflag:s12] =	ssyncadd.s32 $0xFFFFC000  }
0x62: {  	[hbm4b:s19+s4] =	stream.linear.scatter [tilespmem:s15], [sflag:$0x2], $0x8000, $0x38;
	[tilespmem:$0x10400] =	vst v63  }
0x63: {  	_ =	swait.ge [sflag:s18], $0x8000  }
0x64: {  	[sflag:s18] =	ssyncset.done $0x0  }
0x65: {  	[sflag:s18] =	ssyncadd.s32 $0xFFFF8000  }
0x66: {  	[tilespmem:s10], [sflag:$0x1] =	stream.indirect.gather [hbm4b:s3+s9], $0x80, s8, s9, $0xb8;
	[tilespmem:$0x10400] =	vst v63  }
0x67: {  	_ = 	snop  }
0x68: {  	[tilespmem:s11], [sflag:$0x1] =	stream.indirect.gather [hbm4b:s3+s9], $0x80, s20, s9, $0xb8;
	[tilespmem:$0x10400] =	vst v63  }
0x69: {  	_ =	swait.ge [sflag:s12], $0x4000  }
0x6a: {  	[sflag:s12] =	ssyncset.done $0x0  }
0x6b: {  	[sflag:s12] =	ssyncadd.s32 $0xFFFFC000  }
0x6c: {  	_ =	swait.ge [sflag:s12], $0x4000  }
0x6d: {  	[sflag:s12] =	ssyncset.done $0x0  }
0x6e: {  	[sflag:s12] =	ssyncadd.s32 $0xFFFFC000  }
0x6f: {  	[hbm4b:s21+s4] =	stream.linear.scatter [tilespmem:s10], [sflag:$0x2], $0x8000, $0x38;
	[tilespmem:$0x10400] =	vst v63  }
0x70: {  	_ =	swait.ge [sflag:s18], $0x8000  }
0x71: {  	[sflag:s18] =	ssyncset.done $0x0  }
0x72: {  	[sflag:s18] =	ssyncadd.s32 $0xFFFF8000  }
0x73: {  	[tilespmem:s15], [sflag:$0x1] =	stream.indirect.gather [hbm4b:s3+s9], $0x80, s22, s9, $0xb8;
	[tilespmem:$0x10400] =	vst v63  }
0x74: {  	_ = 	snop  }
0x75: {  	[tilespmem:s17], [sflag:$0x1] =	stream.indirect.gather [hbm4b:s3+s9], $0x80, s23, s9, $0xb8;
	[tilespmem:$0x10400] =	vst v63  }
0x76: {  	_ =	swait.ge [sflag:s12], $0x4000  }
0x77: {  	[sflag:s12] =	ssyncset.done $0x0  }
0x78: {  	[sflag:s12] =	ssyncadd.s32 $0xFFFFC000  }
0x79: {  	_ =	swait.ge [sflag:s12], $0x4000  }
0x7a: {  	[sflag:s12] =	ssyncset.done $0x0  }
0x7b: {  	[sflag:s12] =	ssyncadd.s32 $0xFFFFC000  }
0x7c: {  	[hbm4b:s24+s4] =	stream.linear.scatter [tilespmem:s15], [sflag:$0x2], $0x8000, $0x38;
	[tilespmem:$0x10400] =	vst v63  }
.Ltmp1:
0x7d: {  	_ =	swait.ge [sflag:s18], $0x8000;
	(pc) =	sbr.rel @p0 .LBB2_1-.Ltmp1, $4  }
0x7e: {  	[sflag:s18] =	ssyncset.done $0x0  }
0x7f: {  	[sflag:s18] =	ssyncadd.s32 $0xFFFF8000  }
0x80: {  	_ =	swait.ge [sflag:s18], $0x8000  }
0x81: {  	[sflag:s18] =	ssyncset.done $0x0  }
.LBB2_2:
0x82: {  	[sflag:s18] =	ssyncadd.s32 $0xFFFF8000  }
0x83: {  	_ =	sfence.sel $0x180000  }
0x84: {  	[bflag:$0x0] =	sbarrier.arrive $0xFFFF  }
0x85: {  	p0 =	sne.s32 s0, $0x0;
	_ =	strace $0x90000047  }
0x86: {  	s0 =	sadd.s32 @!p0 $0x100000, s2;
	[bflag:$0x2] =	sbarrier.arrive $0xFFFF  }
0x87: {  	[sflag:s0] =	ssyncadd.tile.s32 @!p0 $0x1;
	_ =	shalt  }
.Lfunc_end2:
_tile_overlayer_lowered:
.L_overlay_start_2:
0x88: {  	(tag) =	ssettag $0x2  }
0x89: {  	s0 =	rddreg [dreg:$0x0];
	s2 =	stileid.u32  }
0x8a: {  	s1 =	rddreg [dreg:$0x1];
	p0 =	sne.s32 s2, $0x0  }
0x8b: {  	s3 =	rddreg [dreg:$0x2];
	[bflag:$0x3] =	sbarrier.arrive $0xFFFF;
	s2 =	simm.s32 @!p0 $0x1C03  }
0x8c: {  	[timem:s3], [sflag:s2] =	dma.local @!p0 [hbm:s0], s1  }
0x8d: {  	s0 =	simm.s32 @!p0 $0x3  }
0x8e: {  	_ =	swait.ge @!p0 [sflag:s0], s1  }
0x8f: {  	s1 =	ssub.s32 @!p0 $0x0, s1;
	[sflag:s0] =	ssyncset.done @!p0 $0x0  }
0x90: {  	[sflag:s0] =	ssyncadd.s32 @!p0 s1  }
0x91: {  	[bflag:$0x3] =	sbarrier.arrive $0xFFFF  }
0x92: {  	_ =	shalt  }

</sc_bundles>
